<compile_context>
chip_gen: v7x
topology: tpu7x:2x2x1
jax: 0.10.2.dev20260603
libtpu: 0.0.44.dev20260713+nightly
codegen_flags: <defaults>
</compile_context>

<pallas_src>
import jax
import jax.numpy as jnp
from jax import lax
from jax.experimental import pallas as pl
from jax.experimental.pallas import tpu as pltpu
from jax.experimental.pallas import tpu_sc as plsc

_NUM_ROWS = 100001
_D = 64
_B = 16384

_INFO = plsc.get_sparse_core_info()
_NC = _INFO.num_cores
_NS = _INFO.num_subcores
_NW = _NC * _NS
_RPW = _D // _NW

_P = 33408
_P2 = 33152
_TAIL = _NUM_ROWS - 2 * _P - _P2
_OFFS = (0, _P, 2 * _P)
_SWEEP = (_P, _P, _P2 + _TAIL)


def _gather_body(labels_hbm, tableT_hbm, tailT_hbm, outT_hbm,
                 buf0, buf1, lab_v, out0, out1, shlab_v,
                 sem_lab, sem_row, sem_out):
    sid = lax.axis_index("s")
    wid = sid * _NC + lax.axis_index("c")
    bufs = (buf0, buf1)
    outs = (out0, out1)
    iota = lax.iota(jnp.int32, 16)

    def issue(gpc):
        r, k = divmod(gpc, 3)
        c = wid * _RPW + r
        buf = bufs[gpc % 2]
        if k < 2:
            return [pltpu.async_copy(
                tableT_hbm.at[c, pl.ds(_OFFS[k], _P)],
                buf.at[pl.ds(0, _P)], sem_row)]
        return [
            pltpu.async_copy(tableT_hbm.at[c, pl.ds(_OFFS[2], _P2)],
                             buf.at[pl.ds(0, _P2)], sem_row),
            pltpu.async_copy(tailT_hbm.at[c], buf.at[pl.ds(_P2, 128)],
                             sem_row),
        ]

    pending = issue(0)

    @pl.when(sid == 0)
    def _stage_labels():
        pltpu.async_copy(labels_hbm, shlab_v, sem_lab).wait()

    plsc.subcore_barrier()
    pltpu.async_copy(shlab_v, lab_v, sem_lab).wait()

    out_cps = []
    for r in range(_RPW):
        for k in range(3):
            gpc = r * 3 + k
            for cp in pending:
                cp.wait()
            pending = issue(gpc + 1) if gpc + 1 < _RPW * 3 else []
            rbuf = bufs[gpc % 2]
            oref = outs[r]
            lo = _OFFS[k]
            sz = _SWEEP[k]

            if k == 0:
                @plsc.parallel_loop(0, _B, step=16, unroll=4)
                def _sweep(i, _rbuf=rbuf, _oref=oref):
                    idx = lab_v[pl.ds(i, 16)]
                    relc = jnp.minimum(idx, _P - 1)
                    vals = plsc.load_gather(_rbuf, [relc])
                    plsc.store_scatter(_oref, [iota + i], vals)
            else:
                @plsc.parallel_loop(0, _B, step=16, unroll=4)
                def _sweep(i, _rbuf=rbuf, _oref=oref, _lo=lo, _sz=sz):
                    idx = lab_v[pl.ds(i, 16)]
                    rel = idx - _lo
                    m = plsc.bitcast(rel, jnp.uint32) < jnp.uint32(_sz)
                    vals = plsc.load_gather(_rbuf, [rel], mask=m)
                    plsc.store_scatter(_oref, [iota + i], vals, mask=m)

        out_cps.append(pltpu.async_copy(
            outs[r], outT_hbm.at[wid * _RPW + r], sem_out))
    for cp in out_cps:
        cp.wait()


def kernel(labels, table):
    mesh = plsc.VectorSubcoreMesh(core_axis_name="c", subcore_axis_name="s")
    gather = pl.kernel(
        _gather_body,
        out_type=jax.ShapeDtypeStruct((_D, _B), jnp.float32),
        mesh=mesh,
        scratch_types=[
            pltpu.VMEM((_P,), jnp.float32),
            pltpu.VMEM((_P,), jnp.float32),
            pltpu.VMEM((_B,), jnp.int32),
            pltpu.VMEM((_B,), jnp.float32),
            pltpu.VMEM((_B,), jnp.float32),
            pltpu.VMEM_SHARED((_B,), jnp.int32),
            pltpu.SemaphoreType.DMA,
            pltpu.SemaphoreType.DMA,
            pltpu.SemaphoreType.DMA,
        ],
        compiler_params=pltpu.CompilerParams(
            disable_bounds_checks=True,
            disable_semaphore_checks=True,
            skip_device_barrier=True,
            needs_layout_passes=False,
        ),
    )
    tableT = table.T
    tailT = jnp.pad(
        lax.slice_in_dim(tableT, 2 * _P + _P2, _NUM_ROWS, axis=1),
        ((0, 0), (0, 128 - _TAIL)))
    outT = gather(labels.astype(jnp.int32), tableT, tailT)
    return outT.T

# --- scband reference (transcript-rebuilt; emitter-appended) ---
"""Pipeline reference for scband-label-embedder-14499809591734 (READ-ONLY COPY).

The authoritative reference and input builder live on the scoring server;
editing this copy changes nothing except your own understanding.
"""

import jax, jax.numpy as jnp
import numpy as np

NUM_CLASSES = 100000
NUM_CHANNELS = 64
BATCH = 16384

def setup_inputs(seed: int = 0) -> dict:
    key = jax.random.key(seed)
    k1, k2 = jax.random.split(key)
    labels = jax.random.randint(k1, (BATCH,), 0, NUM_CLASSES + 1, dtype=jnp.int64) if jax.config.jax_enable_x64 else jax.random.randint(k1, (BATCH,), 0, NUM_CLASSES + 1, dtype=jnp.int32)
    # Embedding table: (1 + num_classes, num_channels), init like nn.Embedding (N(0,1))
    table = jax.random.normal(k2, (1 + NUM_CLASSES, NUM_CHANNELS), dtype=jnp.float32)
    return {"labels": labels, "table": table}

def reference(labels, table):
    # LabelEmbedder.forward: embedding lookup
    return jnp.take(table, labels, axis=0)

if __name__ == "__main__":
    import jax
    _d = setup_inputs()
    print(jax.jit(kernel)(*tuple(_d.values())))

</pallas_src>

<mosaic_0001>
#map = affine_map<(d0, d1) -> (0)>
#map1 = affine_map<(d0, d1) -> (0, 0)>
module attributes {stable_mosaic.version = 14 : i64} {
  func.func @_gather_body(%arg0: i32, %arg1: i32, %arg2: memref<16384xi32, #tpu.memory_space<hbm>>, %arg3: memref<64x100001xf32, #tpu.memory_space<hbm>>, %arg4: memref<64x128xf32, #tpu.memory_space<hbm>>, %arg5: memref<64x16384xf32, #tpu.memory_space<hbm>>, %arg6: memref<33408xf32, #tpu.memory_space<vmem>>, %arg7: memref<33408xf32, #tpu.memory_space<vmem>>, %arg8: memref<16384xi32, #tpu.memory_space<vmem>>, %arg9: memref<16384xf32, #tpu.memory_space<vmem>>, %arg10: memref<16384xf32, #tpu.memory_space<vmem>>, %arg11: memref<16384xi32, #tpu.memory_space<vmem_shared>>, %arg12: memref<!tpu.dma_semaphore, #tpu.memory_space<semaphore_mem>>, %arg13: memref<!tpu.dma_semaphore, #tpu.memory_space<semaphore_mem>>, %arg14: memref<!tpu.dma_semaphore, #tpu.memory_space<semaphore_mem>>) attributes {dimension_semantics = [#tpu.dimension_semantics<core_parallel>, #tpu.dimension_semantics<subcore_parallel>], iteration_bounds = array<i64: 2, 16>, scalar_prefetch = 0 : i64, scratch_operands = 9 : i64, tpu.core_type = #tpu.core_type<sc_vector_subcore>, window_params = [{transform_indices = #map}, {transform_indices = #map1}, {transform_indices = #map1}, {transform_indices = #map1}]} {
    %mul3A = arith.constant 2 : i32
    %mul3A_0 = arith.muli %arg1, %mul3A : i32
    %add3A = arith.addi %mul3A_0, %arg0 : i32
    %iota3A = tpu.iota {dimensions = array<i32: 0>} : vector<16xi32>
    %mul3A_1 = arith.constant 2 : i32
    %mul3A_2 = arith.muli %add3A, %mul3A_1 : i32
    %add3A_3 = arith.constant 0 : i32
    %add3A_4 = arith.addi %mul3A_2, %add3A_3 : i32
    %dma_start3A = arith.constant 0 : i32
    %dma_start3A_5 = tpu.memref_slice %arg6[%dma_start3A] : memref<33408xf32, #tpu.memory_space<vmem>> -> memref<33408xf32, #tpu.memory_space<vmem>>
    %dma_start3A_6 = arith.constant 0 : i32
    %dma_start3A_7 = tpu.memref_slice %arg3[%add3A_4, %dma_start3A_6] : memref<64x100001xf32, #tpu.memory_space<hbm>> -> memref<1x33408xf32, #tpu.memory_space<hbm>>
    %dma_start3A_8 = tpu.memref_squeeze %dma_start3A_7 : memref<1x33408xf32, #tpu.memory_space<hbm>> -> memref<33408xf32, #tpu.memory_space<hbm>>
    %dma_start3A_9 = arith.constant 0 : i32
    %dma_start3A_10 = tpu.memref_slice %arg6[%dma_start3A_9] : memref<33408xf32, #tpu.memory_space<vmem>> -> memref<33408xf32, #tpu.memory_space<vmem>>
    %dma_start3A_11 = arith.constant 0 : i32
    %dma_start3A_12 = tpu.memref_slice %arg3[%add3A_4, %dma_start3A_11] : memref<64x100001xf32, #tpu.memory_space<hbm>> -> memref<1x33408xf32, #tpu.memory_space<hbm>>
    %dma_start3A_13 = tpu.memref_squeeze %dma_start3A_12 : memref<1x33408xf32, #tpu.memory_space<hbm>> -> memref<33408xf32, #tpu.memory_space<hbm>>
    tpu.enqueue_dma source(%dma_start3A_13 : memref<33408xf32, #tpu.memory_space<hbm>>) target(%dma_start3A_10 : memref<33408xf32, #tpu.memory_space<vmem>>) target_semaphore(%arg13 : memref<!tpu.dma_semaphore, #tpu.memory_space<semaphore_mem>>)
    %eq3A = arith.constant 0 : i32
    %eq3A_14 = arith.cmpi eq, %arg1, %eq3A : i32
    %convert_element_type3A = arith.extui %eq3A_14 : i1 to i32
    %cond3A = arith.constant 0 : i32
    %cond3A_15 = arith.cmpi ne, %convert_element_type3A, %cond3A : i32
    scf.if %cond3A_15 {
      tpu.enqueue_dma source(%arg2 : memref<16384xi32, #tpu.memory_space<hbm>>) target(%arg11 : memref<16384xi32, #tpu.memory_space<vmem_shared>>) target_semaphore(%arg12 : memref<!tpu.dma_semaphore, #tpu.memory_space<semaphore_mem>>)
      tpu.wait_dma2 semaphore(%arg12 : memref<!tpu.dma_semaphore, #tpu.memory_space<semaphore_mem>>) src(%arg2 : memref<16384xi32, #tpu.memory_space<hbm>>) dst(%arg11 : memref<16384xi32, #tpu.memory_space<vmem_shared>>)
    } else {
    }
    %barrier3A = arith.constant 0 : index
    tpu.barrier barrier_id(%barrier3A)
    tpu.enqueue_dma source(%arg11 : memref<16384xi32, #tpu.memory_space<vmem_shared>>) target(%arg8 : memref<16384xi32, #tpu.memory_space<vmem>>) target_semaphore(%arg12 : memref<!tpu.dma_semaphore, #tpu.memory_space<semaphore_mem>>)
    tpu.wait_dma2 semaphore(%arg12 : memref<!tpu.dma_semaphore, #tpu.memory_space<semaphore_mem>>) src(%arg11 : memref<16384xi32, #tpu.memory_space<vmem_shared>>) dst(%arg8 : memref<16384xi32, #tpu.memory_space<vmem>>)
    %dma_wait3A = arith.constant 0 : i32
    %dma_wait3A_16 = tpu.memref_slice %arg6[%dma_wait3A] : memref<33408xf32, #tpu.memory_space<vmem>> -> memref<33408xf32, #tpu.memory_space<vmem>>
    %dma_wait3A_17 = arith.constant 0 : i32
    %dma_wait3A_18 = tpu.memref_slice %arg3[%add3A_4, %dma_wait3A_17] : memref<64x100001xf32, #tpu.memory_space<hbm>> -> memref<1x33408xf32, #tpu.memory_space<hbm>>
    %dma_wait3A_19 = tpu.memref_squeeze %dma_wait3A_18 : memref<1x33408xf32, #tpu.memory_space<hbm>> -> memref<33408xf32, #tpu.memory_space<hbm>>
    %dma_wait3A_20 = arith.constant 0 : i32
    %dma_wait3A_21 = tpu.memref_slice %arg6[%dma_wait3A_20] : memref<33408xf32, #tpu.memory_space<vmem>> -> memref<33408xf32, #tpu.memory_space<vmem>>
    %dma_wait3A_22 = arith.constant 0 : i32
    %dma_wait3A_23 = tpu.memref_slice %arg3[%add3A_4, %dma_wait3A_22] : memref<64x100001xf32, #tpu.memory_space<hbm>> -> memref<1x33408xf32, #tpu.memory_space<hbm>>
    %dma_wait3A_24 = tpu.memref_squeeze %dma_wait3A_23 : memref<1x33408xf32, #tpu.memory_space<hbm>> -> memref<33408xf32, #tpu.memory_space<hbm>>
    tpu.wait_dma2 semaphore(%arg13 : memref<!tpu.dma_semaphore, #tpu.memory_space<semaphore_mem>>) src(%dma_wait3A_24 : memref<33408xf32, #tpu.memory_space<hbm>>) dst(%dma_wait3A_21 : memref<33408xf32, #tpu.memory_space<vmem>>)
    %mul3A_25 = arith.constant 2 : i32
    %mul3A_26 = arith.muli %add3A, %mul3A_25 : i32
    %add3A_27 = arith.constant 0 : i32
    %add3A_28 = arith.addi %mul3A_26, %add3A_27 : i32
    %dma_start3A_29 = arith.constant 0 : i32
    %dma_start3A_30 = tpu.memref_slice %arg7[%dma_start3A_29] : memref<33408xf32, #tpu.memory_space<vmem>> -> memref<33408xf32, #tpu.memory_space<vmem>>
    %dma_start3A_31 = arith.constant 33408 : i32
    %dma_start3A_32 = tpu.memref_slice %arg3[%add3A_28, %dma_start3A_31] : memref<64x100001xf32, #tpu.memory_space<hbm>> -> memref<1x33408xf32, #tpu.memory_space<hbm>>
    %dma_start3A_33 = tpu.memref_squeeze %dma_start3A_32 : memref<1x33408xf32, #tpu.memory_space<hbm>> -> memref<33408xf32, #tpu.memory_space<hbm>>
    %dma_start3A_34 = arith.constant 0 : i32
    %dma_start3A_35 = tpu.memref_slice %arg7[%dma_start3A_34] : memref<33408xf32, #tpu.memory_space<vmem>> -> memref<33408xf32, #tpu.memory_space<vmem>>
    %dma_start3A_36 = arith.constant 33408 : i32
    %dma_start3A_37 = tpu.memref_slice %arg3[%add3A_28, %dma_start3A_36] : memref<64x100001xf32, #tpu.memory_space<hbm>> -> memref<1x33408xf32, #tpu.memory_space<hbm>>
    %dma_start3A_38 = tpu.memref_squeeze %dma_start3A_37 : memref<1x33408xf32, #tpu.memory_space<hbm>> -> memref<33408xf32, #tpu.memory_space<hbm>>
    tpu.enqueue_dma source(%dma_start3A_38 : memref<33408xf32, #tpu.memory_space<hbm>>) target(%dma_start3A_35 : memref<33408xf32, #tpu.memory_space<vmem>>) target_semaphore(%arg13 : memref<!tpu.dma_semaphore, #tpu.memory_space<semaphore_mem>>)
    %parallel_loop3A = arith.constant 0 : i32
    %parallel_loop3A_39 = arith.constant 16384 : i32
    %parallel_loop3A_40 = arith.constant 16 : i32
    scf.for %parallel_loop3A_234 = %parallel_loop3A to %parallel_loop3A_39 step %parallel_loop3A_40  : i32 {
      %parallel_loop3A_235 = arith.index_cast %parallel_loop3A_234 : i32 to index
      %parallel_loop3A_236 = tpu.vector_load %arg8[%parallel_loop3A_235] {strides = array<i32>} : memref<16384xi32, #tpu.memory_space<vmem>>, vector<16xi32>,
      %parallel_loop3A_237 = arith.constant 33407 : i32
      %parallel_loop3A_238 = vector.broadcast %parallel_loop3A_237 : i32 to vector<16xi32>
      %parallel_loop3A_239 = arith.minsi %parallel_loop3A_236, %parallel_loop3A_238 : vector<16xi32>
      %parallel_loop3A_240 = tpu.vector_load_idx %arg6[%parallel_loop3A_239] : memref<33408xf32, #tpu.memory_space<vmem>>[vector<16xi32>], vector<16xf32>,
      %parallel_loop3A_241 = vector.broadcast %parallel_loop3A_234 : i32 to vector<16xi32>
      %parallel_loop3A_242 = arith.addi %iota3A, %parallel_loop3A_241 : vector<16xi32>
      tpu.vector_store_idx %arg9[%parallel_loop3A_242], %parallel_loop3A_240 : memref<16384xf32, #tpu.memory_space<vmem>>[vector<16xi32>], vector<16xf32>,
    } {sc.loop_unroll_factor = 4 : i64, sc.parallel_access}
    %dma_wait3A_41 = arith.constant 0 : i32
    %dma_wait3A_42 = tpu.memref_slice %arg7[%dma_wait3A_41] : memref<33408xf32, #tpu.memory_space<vmem>> -> memref<33408xf32, #tpu.memory_space<vmem>>
    %dma_wait3A_43 = arith.constant 33408 : i32
    %dma_wait3A_44 = tpu.memref_slice %arg3[%add3A_28, %dma_wait3A_43] : memref<64x100001xf32, #tpu.memory_space<hbm>> -> memref<1x33408xf32, #tpu.memory_space<hbm>>
    %dma_wait3A_45 = tpu.memref_squeeze %dma_wait3A_44 : memref<1x33408xf32, #tpu.memory_space<hbm>> -> memref<33408xf32, #tpu.memory_space<hbm>>
    %dma_wait3A_46 = arith.constant 0 : i32
    %dma_wait3A_47 = tpu.memref_slice %arg7[%dma_wait3A_46] : memref<33408xf32, #tpu.memory_space<vmem>> -> memref<33408xf32, #tpu.memory_space<vmem>>
    %dma_wait3A_48 = arith.constant 33408 : i32
    %dma_wait3A_49 = tpu.memref_slice %arg3[%add3A_28, %dma_wait3A_48] : memref<64x100001xf32, #tpu.memory_space<hbm>> -> memref<1x33408xf32, #tpu.memory_space<hbm>>
    %dma_wait3A_50 = tpu.memref_squeeze %dma_wait3A_49 : memref<1x33408xf32, #tpu.memory_space<hbm>> -> memref<33408xf32, #tpu.memory_space<hbm>>
    tpu.wait_dma2 semaphore(%arg13 : memref<!tpu.dma_semaphore, #tpu.memory_space<semaphore_mem>>) src(%dma_wait3A_50 : memref<33408xf32, #tpu.memory_space<hbm>>) dst(%dma_wait3A_47 : memref<33408xf32, #tpu.memory_space<vmem>>)
    %mul3A_51 = arith.constant 2 : i32
    %mul3A_52 = arith.muli %add3A, %mul3A_51 : i32
    %add3A_53 = arith.constant 0 : i32
    %add3A_54 = arith.addi %mul3A_52, %add3A_53 : i32
    %dma_start3A_55 = arith.constant 0 : i32
    %dma_start3A_56 = tpu.memref_slice %arg6[%dma_start3A_55] : memref<33408xf32, #tpu.memory_space<vmem>> -> memref<33152xf32, #tpu.memory_space<vmem>>
    %dma_start3A_57 = arith.constant 66816 : i32
    %dma_start3A_58 = tpu.memref_slice %arg3[%add3A_54, %dma_start3A_57] : memref<64x100001xf32, #tpu.memory_space<hbm>> -> memref<1x33152xf32, #tpu.memory_space<hbm>>
    %dma_start3A_59 = tpu.memref_squeeze %dma_start3A_58 : memref<1x33152xf32, #tpu.memory_space<hbm>> -> memref<33152xf32, #tpu.memory_space<hbm>>
    %dma_start3A_60 = arith.constant 0 : i32
    %dma_start3A_61 = tpu.memref_slice %arg6[%dma_start3A_60] : memref<33408xf32, #tpu.memory_space<vmem>> -> memref<33152xf32, #tpu.memory_space<vmem>>
    %dma_start3A_62 = arith.constant 66816 : i32
    %dma_start3A_63 = tpu.memref_slice %arg3[%add3A_54, %dma_start3A_62] : memref<64x100001xf32, #tpu.memory_space<hbm>> -> memref<1x33152xf32, #tpu.memory_space<hbm>>
    %dma_start3A_64 = tpu.memref_squeeze %dma_start3A_63 : memref<1x33152xf32, #tpu.memory_space<hbm>> -> memref<33152xf32, #tpu.memory_space<hbm>>
    tpu.enqueue_dma source(%dma_start3A_64 : memref<33152xf32, #tpu.memory_space<hbm>>) target(%dma_start3A_61 : memref<33152xf32, #tpu.memory_space<vmem>>) target_semaphore(%arg13 : memref<!tpu.dma_semaphore, #tpu.memory_space<semaphore_mem>>)
    %dma_start3A_65 = arith.constant 33152 : i32
    %dma_start3A_66 = tpu.memref_slice %arg6[%dma_start3A_65] : memref<33408xf32, #tpu.memory_space<vmem>> -> memref<128xf32, #tpu.memory_space<vmem>>
    %dma_start3A_67 = arith.constant 0 : i32
    %dma_start3A_68 = tpu.memref_slice %arg4[%add3A_54, %dma_start3A_67] : memref<64x128xf32, #tpu.memory_space<hbm>> -> memref<1x128xf32, #tpu.memory_space<hbm>>
    %dma_start3A_69 = tpu.memref_squeeze %dma_start3A_68 : memref<1x128xf32, #tpu.memory_space<hbm>> -> memref<128xf32, #tpu.memory_space<hbm>>
    %dma_start3A_70 = arith.constant 33152 : i32
    %dma_start3A_71 = tpu.memref_slice %arg6[%dma_start3A_70] : memref<33408xf32, #tpu.memory_space<vmem>> -> memref<128xf32, #tpu.memory_space<vmem>>
    %dma_start3A_72 = arith.constant 0 : i32
    %dma_start3A_73 = tpu.memref_slice %arg4[%add3A_54, %dma_start3A_72] : memref<64x128xf32, #tpu.memory_space<hbm>> -> memref<1x128xf32, #tpu.memory_space<hbm>>
    %dma_start3A_74 = tpu.memref_squeeze %dma_start3A_73 : memref<1x128xf32, #tpu.memory_space<hbm>> -> memref<128xf32, #tpu.memory_space<hbm>>
    tpu.enqueue_dma source(%dma_start3A_74 : memref<128xf32, #tpu.memory_space<hbm>>) target(%dma_start3A_71 : memref<128xf32, #tpu.memory_space<vmem>>) target_semaphore(%arg13 : memref<!tpu.dma_semaphore, #tpu.memory_space<semaphore_mem>>)
    %parallel_loop3A_75 = arith.constant 0 : i32
    %parallel_loop3A_76 = arith.constant 16384 : i32
    %parallel_loop3A_77 = arith.constant 16 : i32
    scf.for %parallel_loop3A_234 = %parallel_loop3A_75 to %parallel_loop3A_76 step %parallel_loop3A_77  : i32 {
      %parallel_loop3A_235 = arith.index_cast %parallel_loop3A_234 : i32 to index
      %parallel_loop3A_236 = tpu.vector_load %arg8[%parallel_loop3A_235] {strides = array<i32>} : memref<16384xi32, #tpu.memory_space<vmem>>, vector<16xi32>,
      %parallel_loop3A_237 = arith.constant 33408 : i32
      %parallel_loop3A_238 = vector.broadcast %parallel_loop3A_237 : i32 to vector<16xi32>
      %parallel_loop3A_239 = arith.subi %parallel_loop3A_236, %parallel_loop3A_238 : vector<16xi32>
      %parallel_loop3A_240 = vector.bitcast %parallel_loop3A_239 : vector<16xi32> to vector<16xi32>
      %parallel_loop3A_241 = arith.constant 33408 : i32
      %parallel_loop3A_242 = vector.broadcast %parallel_loop3A_241 : i32 to vector<16xi32>
      %parallel_loop3A_243 = arith.cmpi ult, %parallel_loop3A_240, %parallel_loop3A_242 : vector<16xi32>
      %parallel_loop3A_244 = tpu.vector_load_idx %arg7[%parallel_loop3A_239] masked %parallel_loop3A_243 : memref<33408xf32, #tpu.memory_space<vmem>>[vector<16xi32>], vector<16xf32>, vector<16xi1>
      %parallel_loop3A_245 = vector.broadcast %parallel_loop3A_234 : i32 to vector<16xi32>
      %parallel_loop3A_246 = arith.addi %iota3A, %parallel_loop3A_245 : vector<16xi32>
      tpu.vector_store_idx %arg9[%parallel_loop3A_246], %parallel_loop3A_244 masked %parallel_loop3A_243 : memref<16384xf32, #tpu.memory_space<vmem>>[vector<16xi32>], vector<16xf32>, vector<16xi1>
    } {sc.loop_unroll_factor = 4 : i64, sc.parallel_access}
    %dma_wait3A_78 = arith.constant 0 : i32
    %dma_wait3A_79 = tpu.memref_slice %arg6[%dma_wait3A_78] : memref<33408xf32, #tpu.memory_space<vmem>> -> memref<33152xf32, #tpu.memory_space<vmem>>
    %dma_wait3A_80 = arith.constant 66816 : i32
    %dma_wait3A_81 = tpu.memref_slice %arg3[%add3A_54, %dma_wait3A_80] : memref<64x100001xf32, #tpu.memory_space<hbm>> -> memref<1x33152xf32, #tpu.memory_space<hbm>>
    %dma_wait3A_82 = tpu.memref_squeeze %dma_wait3A_81 : memref<1x33152xf32, #tpu.memory_space<hbm>> -> memref<33152xf32, #tpu.memory_space<hbm>>
    %dma_wait3A_83 = arith.constant 0 : i32
    %dma_wait3A_84 = tpu.memref_slice %arg6[%dma_wait3A_83] : memref<33408xf32, #tpu.memory_space<vmem>> -> memref<33152xf32, #tpu.memory_space<vmem>>
    %dma_wait3A_85 = arith.constant 66816 : i32
    %dma_wait3A_86 = tpu.memref_slice %arg3[%add3A_54, %dma_wait3A_85] : memref<64x100001xf32, #tpu.memory_space<hbm>> -> memref<1x33152xf32, #tpu.memory_space<hbm>>
    %dma_wait3A_87 = tpu.memref_squeeze %dma_wait3A_86 : memref<1x33152xf32, #tpu.memory_space<hbm>> -> memref<33152xf32, #tpu.memory_space<hbm>>
    tpu.wait_dma2 semaphore(%arg13 : memref<!tpu.dma_semaphore, #tpu.memory_space<semaphore_mem>>) src(%dma_wait3A_87 : memref<33152xf32, #tpu.memory_space<hbm>>) dst(%dma_wait3A_84 : memref<33152xf32, #tpu.memory_space<vmem>>)
    %dma_wait3A_88 = arith.constant 33152 : i32
    %dma_wait3A_89 = tpu.memref_slice %arg6[%dma_wait3A_88] : memref<33408xf32, #tpu.memory_space<vmem>> -> memref<128xf32, #tpu.memory_space<vmem>>
    %dma_wait3A_90 = arith.constant 0 : i32
    %dma_wait3A_91 = tpu.memref_slice %arg4[%add3A_54, %dma_wait3A_90] : memref<64x128xf32, #tpu.memory_space<hbm>> -> memref<1x128xf32, #tpu.memory_space<hbm>>
    %dma_wait3A_92 = tpu.memref_squeeze %dma_wait3A_91 : memref<1x128xf32, #tpu.memory_space<hbm>> -> memref<128xf32, #tpu.memory_space<hbm>>
    %dma_wait3A_93 = arith.constant 33152 : i32
    %dma_wait3A_94 = tpu.memref_slice %arg6[%dma_wait3A_93] : memref<33408xf32, #tpu.memory_space<vmem>> -> memref<128xf32, #tpu.memory_space<vmem>>
    %dma_wait3A_95 = arith.constant 0 : i32
    %dma_wait3A_96 = tpu.memref_slice %arg4[%add3A_54, %dma_wait3A_95] : memref<64x128xf32, #tpu.memory_space<hbm>> -> memref<1x128xf32, #tpu.memory_space<hbm>>
    %dma_wait3A_97 = tpu.memref_squeeze %dma_wait3A_96 : memref<1x128xf32, #tpu.memory_space<hbm>> -> memref<128xf32, #tpu.memory_space<hbm>>
    tpu.wait_dma2 semaphore(%arg13 : memref<!tpu.dma_semaphore, #tpu.memory_space<semaphore_mem>>) src(%dma_wait3A_97 : memref<128xf32, #tpu.memory_space<hbm>>) dst(%dma_wait3A_94 : memref<128xf32, #tpu.memory_space<vmem>>)
    %mul3A_98 = arith.constant 2 : i32
    %mul3A_99 = arith.muli %add3A, %mul3A_98 : i32
    %add3A_100 = arith.constant 1 : i32
    %add3A_101 = arith.addi %mul3A_99, %add3A_100 : i32
    %dma_start3A_102 = arith.constant 0 : i32
    %dma_start3A_103 = tpu.memref_slice %arg7[%dma_start3A_102] : memref<33408xf32, #tpu.memory_space<vmem>> -> memref<33408xf32, #tpu.memory_space<vmem>>
    %dma_start3A_104 = arith.constant 0 : i32
    %dma_start3A_105 = tpu.memref_slice %arg3[%add3A_101, %dma_start3A_104] : memref<64x100001xf32, #tpu.memory_space<hbm>> -> memref<1x33408xf32, #tpu.memory_space<hbm>>
    %dma_start3A_106 = tpu.memref_squeeze %dma_start3A_105 : memref<1x33408xf32, #tpu.memory_space<hbm>> -> memref<33408xf32, #tpu.memory_space<hbm>>
    %dma_start3A_107 = arith.constant 0 : i32
    %dma_start3A_108 = tpu.memref_slice %arg7[%dma_start3A_107] : memref<33408xf32, #tpu.memory_space<vmem>> -> memref<33408xf32, #tpu.memory_space<vmem>>
    %dma_start3A_109 = arith.constant 0 : i32
    %dma_start3A_110 = tpu.memref_slice %arg3[%add3A_101, %dma_start3A_109] : memref<64x100001xf32, #tpu.memory_space<hbm>> -> memref<1x33408xf32, #tpu.memory_space<hbm>>
    %dma_start3A_111 = tpu.memref_squeeze %dma_start3A_110 : memref<1x33408xf32, #tpu.memory_space<hbm>> -> memref<33408xf32, #tpu.memory_space<hbm>>
    tpu.enqueue_dma source(%dma_start3A_111 : memref<33408xf32, #tpu.memory_space<hbm>>) target(%dma_start3A_108 : memref<33408xf32, #tpu.memory_space<vmem>>) target_semaphore(%arg13 : memref<!tpu.dma_semaphore, #tpu.memory_space<semaphore_mem>>)
    %parallel_loop3A_112 = arith.constant 0 : i32
    %parallel_loop3A_113 = arith.constant 16384 : i32
    %parallel_loop3A_114 = arith.constant 16 : i32
    scf.for %parallel_loop3A_234 = %parallel_loop3A_112 to %parallel_loop3A_113 step %parallel_loop3A_114  : i32 {
      %parallel_loop3A_235 = arith.index_cast %parallel_loop3A_234 : i32 to index
      %parallel_loop3A_236 = tpu.vector_load %arg8[%parallel_loop3A_235] {strides = array<i32>} : memref<16384xi32, #tpu.memory_space<vmem>>, vector<16xi32>,
      %parallel_loop3A_237 = arith.constant 66816 : i32
      %parallel_loop3A_238 = vector.broadcast %parallel_loop3A_237 : i32 to vector<16xi32>
      %parallel_loop3A_239 = arith.subi %parallel_loop3A_236, %parallel_loop3A_238 : vector<16xi32>
      %parallel_loop3A_240 = vector.bitcast %parallel_loop3A_239 : vector<16xi32> to vector<16xi32>
      %parallel_loop3A_241 = arith.constant 33185 : i32
      %parallel_loop3A_242 = vector.broadcast %parallel_loop3A_241 : i32 to vector<16xi32>
      %parallel_loop3A_243 = arith.cmpi ult, %parallel_loop3A_240, %parallel_loop3A_242 : vector<16xi32>
      %parallel_loop3A_244 = tpu.vector_load_idx %arg6[%parallel_loop3A_239] masked %parallel_loop3A_243 : memref<33408xf32, #tpu.memory_space<vmem>>[vector<16xi32>], vector<16xf32>, vector<16xi1>
      %parallel_loop3A_245 = vector.broadcast %parallel_loop3A_234 : i32 to vector<16xi32>
      %parallel_loop3A_246 = arith.addi %iota3A, %parallel_loop3A_245 : vector<16xi32>
      tpu.vector_store_idx %arg9[%parallel_loop3A_246], %parallel_loop3A_244 masked %parallel_loop3A_243 : memref<16384xf32, #tpu.memory_space<vmem>>[vector<16xi32>], vector<16xf32>, vector<16xi1>
    } {sc.loop_unroll_factor = 4 : i64, sc.parallel_access}
    %mul3A_115 = arith.constant 2 : i32
    %mul3A_116 = arith.muli %add3A, %mul3A_115 : i32
    %add3A_117 = arith.constant 0 : i32
    %add3A_118 = arith.addi %mul3A_116, %add3A_117 : i32
    %dma_start3A_119 = arith.constant 0 : i32
    %dma_start3A_120 = tpu.memref_slice %arg5[%add3A_118, %dma_start3A_119] : memref<64x16384xf32, #tpu.memory_space<hbm>> -> memref<1x16384xf32, #tpu.memory_space<hbm>>
    %dma_start3A_121 = tpu.memref_squeeze %dma_start3A_120 : memref<1x16384xf32, #tpu.memory_space<hbm>> -> memref<16384xf32, #tpu.memory_space<hbm>>
    %dma_start3A_122 = arith.constant 0 : i32
    %dma_start3A_123 = tpu.memref_slice %arg5[%add3A_118, %dma_start3A_122] : memref<64x16384xf32, #tpu.memory_space<hbm>> -> memref<1x16384xf32, #tpu.memory_space<hbm>>
    %dma_start3A_124 = tpu.memref_squeeze %dma_start3A_123 : memref<1x16384xf32, #tpu.memory_space<hbm>> -> memref<16384xf32, #tpu.memory_space<hbm>>
    tpu.enqueue_dma source(%arg9 : memref<16384xf32, #tpu.memory_space<vmem>>) target(%dma_start3A_124 : memref<16384xf32, #tpu.memory_space<hbm>>) target_semaphore(%arg14 : memref<!tpu.dma_semaphore, #tpu.memory_space<semaphore_mem>>)
    %dma_wait3A_125 = arith.constant 0 : i32
    %dma_wait3A_126 = tpu.memref_slice %arg7[%dma_wait3A_125] : memref<33408xf32, #tpu.memory_space<vmem>> -> memref<33408xf32, #tpu.memory_space<vmem>>
    %dma_wait3A_127 = arith.constant 0 : i32
    %dma_wait3A_128 = tpu.memref_slice %arg3[%add3A_101, %dma_wait3A_127] : memref<64x100001xf32, #tpu.memory_space<hbm>> -> memref<1x33408xf32, #tpu.memory_space<hbm>>
    %dma_wait3A_129 = tpu.memref_squeeze %dma_wait3A_128 : memref<1x33408xf32, #tpu.memory_space<hbm>> -> memref<33408xf32, #tpu.memory_space<hbm>>
    %dma_wait3A_130 = arith.constant 0 : i32
    %dma_wait3A_131 = tpu.memref_slice %arg7[%dma_wait3A_130] : memref<33408xf32, #tpu.memory_space<vmem>> -> memref<33408xf32, #tpu.memory_space<vmem>>
    %dma_wait3A_132 = arith.constant 0 : i32
    %dma_wait3A_133 = tpu.memref_slice %arg3[%add3A_101, %dma_wait3A_132] : memref<64x100001xf32, #tpu.memory_space<hbm>> -> memref<1x33408xf32, #tpu.memory_space<hbm>>
    %dma_wait3A_134 = tpu.memref_squeeze %dma_wait3A_133 : memref<1x33408xf32, #tpu.memory_space<hbm>> -> memref<33408xf32, #tpu.memory_space<hbm>>
    tpu.wait_dma2 semaphore(%arg13 : memref<!tpu.dma_semaphore, #tpu.memory_space<semaphore_mem>>) src(%dma_wait3A_134 : memref<33408xf32, #tpu.memory_space<hbm>>) dst(%dma_wait3A_131 : memref<33408xf32, #tpu.memory_space<vmem>>)
    %mul3A_135 = arith.constant 2 : i32
    %mul3A_136 = arith.muli %add3A, %mul3A_135 : i32
    %add3A_137 = arith.constant 1 : i32
    %add3A_138 = arith.addi %mul3A_136, %add3A_137 : i32
    %dma_start3A_139 = arith.constant 0 : i32
    %dma_start3A_140 = tpu.memref_slice %arg6[%dma_start3A_139] : memref<33408xf32, #tpu.memory_space<vmem>> -> memref<33408xf32, #tpu.memory_space<vmem>>
    %dma_start3A_141 = arith.constant 33408 : i32
    %dma_start3A_142 = tpu.memref_slice %arg3[%add3A_138, %dma_start3A_141] : memref<64x100001xf32, #tpu.memory_space<hbm>> -> memref<1x33408xf32, #tpu.memory_space<hbm>>
    %dma_start3A_143 = tpu.memref_squeeze %dma_start3A_142 : memref<1x33408xf32, #tpu.memory_space<hbm>> -> memref<33408xf32, #tpu.memory_space<hbm>>
    %dma_start3A_144 = arith.constant 0 : i32
    %dma_start3A_145 = tpu.memref_slice %arg6[%dma_start3A_144] : memref<33408xf32, #tpu.memory_space<vmem>> -> memref<33408xf32, #tpu.memory_space<vmem>>
    %dma_start3A_146 = arith.constant 33408 : i32
    %dma_start3A_147 = tpu.memref_slice %arg3[%add3A_138, %dma_start3A_146] : memref<64x100001xf32, #tpu.memory_space<hbm>> -> memref<1x33408xf32, #tpu.memory_space<hbm>>
    %dma_start3A_148 = tpu.memref_squeeze %dma_start3A_147 : memref<1x33408xf32, #tpu.memory_space<hbm>> -> memref<33408xf32, #tpu.memory_space<hbm>>
    tpu.enqueue_dma source(%dma_start3A_148 : memref<33408xf32, #tpu.memory_space<hbm>>) target(%dma_start3A_145 : memref<33408xf32, #tpu.memory_space<vmem>>) target_semaphore(%arg13 : memref<!tpu.dma_semaphore, #tpu.memory_space<semaphore_mem>>)
    %parallel_loop3A_149 = arith.constant 0 : i32
    %parallel_loop3A_150 = arith.constant 16384 : i32
    %parallel_loop3A_151 = arith.constant 16 : i32
    scf.for %parallel_loop3A_234 = %parallel_loop3A_149 to %parallel_loop3A_150 step %parallel_loop3A_151  : i32 {
      %parallel_loop3A_235 = arith.index_cast %parallel_loop3A_234 : i32 to index
      %parallel_loop3A_236 = tpu.vector_load %arg8[%parallel_loop3A_235] {strides = array<i32>} : memref<16384xi32, #tpu.memory_space<vmem>>, vector<16xi32>,
      %parallel_loop3A_237 = arith.constant 33407 : i32
      %parallel_loop3A_238 = vector.broadcast %parallel_loop3A_237 : i32 to vector<16xi32>
      %parallel_loop3A_239 = arith.minsi %parallel_loop3A_236, %parallel_loop3A_238 : vector<16xi32>
      %parallel_loop3A_240 = tpu.vector_load_idx %arg7[%parallel_loop3A_239] : memref<33408xf32, #tpu.memory_space<vmem>>[vector<16xi32>], vector<16xf32>,
      %parallel_loop3A_241 = vector.broadcast %parallel_loop3A_234 : i32 to vector<16xi32>
      %parallel_loop3A_242 = arith.addi %iota3A, %parallel_loop3A_241 : vector<16xi32>
      tpu.vector_store_idx %arg10[%parallel_loop3A_242], %parallel_loop3A_240 : memref<16384xf32, #tpu.memory_space<vmem>>[vector<16xi32>], vector<16xf32>,
    } {sc.loop_unroll_factor = 4 : i64, sc.parallel_access}
    %dma_wait3A_152 = arith.constant 0 : i32
    %dma_wait3A_153 = tpu.memref_slice %arg6[%dma_wait3A_152] : memref<33408xf32, #tpu.memory_space<vmem>> -> memref<33408xf32, #tpu.memory_space<vmem>>
    %dma_wait3A_154 = arith.constant 33408 : i32
    %dma_wait3A_155 = tpu.memref_slice %arg3[%add3A_138, %dma_wait3A_154] : memref<64x100001xf32, #tpu.memory_space<hbm>> -> memref<1x33408xf32, #tpu.memory_space<hbm>>
    %dma_wait3A_156 = tpu.memref_squeeze %dma_wait3A_155 : memref<1x33408xf32, #tpu.memory_space<hbm>> -> memref<33408xf32, #tpu.memory_space<hbm>>
    %dma_wait3A_157 = arith.constant 0 : i32
    %dma_wait3A_158 = tpu.memref_slice %arg6[%dma_wait3A_157] : memref<33408xf32, #tpu.memory_space<vmem>> -> memref<33408xf32, #tpu.memory_space<vmem>>
    %dma_wait3A_159 = arith.constant 33408 : i32
    %dma_wait3A_160 = tpu.memref_slice %arg3[%add3A_138, %dma_wait3A_159] : memref<64x100001xf32, #tpu.memory_space<hbm>> -> memref<1x33408xf32, #tpu.memory_space<hbm>>
    %dma_wait3A_161 = tpu.memref_squeeze %dma_wait3A_160 : memref<1x33408xf32, #tpu.memory_space<hbm>> -> memref<33408xf32, #tpu.memory_space<hbm>>
    tpu.wait_dma2 semaphore(%arg13 : memref<!tpu.dma_semaphore, #tpu.memory_space<semaphore_mem>>) src(%dma_wait3A_161 : memref<33408xf32, #tpu.memory_space<hbm>>) dst(%dma_wait3A_158 : memref<33408xf32, #tpu.memory_space<vmem>>)
    %mul3A_162 = arith.constant 2 : i32
    %mul3A_163 = arith.muli %add3A, %mul3A_162 : i32
    %add3A_164 = arith.constant 1 : i32
    %add3A_165 = arith.addi %mul3A_163, %add3A_164 : i32
    %dma_start3A_166 = arith.constant 0 : i32
    %dma_start3A_167 = tpu.memref_slice %arg7[%dma_start3A_166] : memref<33408xf32, #tpu.memory_space<vmem>> -> memref<33152xf32, #tpu.memory_space<vmem>>
    %dma_start3A_168 = arith.constant 66816 : i32
    %dma_start3A_169 = tpu.memref_slice %arg3[%add3A_165, %dma_start3A_168] : memref<64x100001xf32, #tpu.memory_space<hbm>> -> memref<1x33152xf32, #tpu.memory_space<hbm>>
    %dma_start3A_170 = tpu.memref_squeeze %dma_start3A_169 : memref<1x33152xf32, #tpu.memory_space<hbm>> -> memref<33152xf32, #tpu.memory_space<hbm>>
    %dma_start3A_171 = arith.constant 0 : i32
    %dma_start3A_172 = tpu.memref_slice %arg7[%dma_start3A_171] : memref<33408xf32, #tpu.memory_space<vmem>> -> memref<33152xf32, #tpu.memory_space<vmem>>
    %dma_start3A_173 = arith.constant 66816 : i32
    %dma_start3A_174 = tpu.memref_slice %arg3[%add3A_165, %dma_start3A_173] : memref<64x100001xf32, #tpu.memory_space<hbm>> -> memref<1x33152xf32, #tpu.memory_space<hbm>>
    %dma_start3A_175 = tpu.memref_squeeze %dma_start3A_174 : memref<1x33152xf32, #tpu.memory_space<hbm>> -> memref<33152xf32, #tpu.memory_space<hbm>>
    tpu.enqueue_dma source(%dma_start3A_175 : memref<33152xf32, #tpu.memory_space<hbm>>) target(%dma_start3A_172 : memref<33152xf32, #tpu.memory_space<vmem>>) target_semaphore(%arg13 : memref<!tpu.dma_semaphore, #tpu.memory_space<semaphore_mem>>)
    %dma_start3A_176 = arith.constant 33152 : i32
    %dma_start3A_177 = tpu.memref_slice %arg7[%dma_start3A_176] : memref<33408xf32, #tpu.memory_space<vmem>> -> memref<128xf32, #tpu.memory_space<vmem>>
    %dma_start3A_178 = arith.constant 0 : i32
    %dma_start3A_179 = tpu.memref_slice %arg4[%add3A_165, %dma_start3A_178] : memref<64x128xf32, #tpu.memory_space<hbm>> -> memref<1x128xf32, #tpu.memory_space<hbm>>
    %dma_start3A_180 = tpu.memref_squeeze %dma_start3A_179 : memref<1x128xf32, #tpu.memory_space<hbm>> -> memref<128xf32, #tpu.memory_space<hbm>>
    %dma_start3A_181 = arith.constant 33152 : i32
    %dma_start3A_182 = tpu.memref_slice %arg7[%dma_start3A_181] : memref<33408xf32, #tpu.memory_space<vmem>> -> memref<128xf32, #tpu.memory_space<vmem>>
    %dma_start3A_183 = arith.constant 0 : i32
    %dma_start3A_184 = tpu.memref_slice %arg4[%add3A_165, %dma_start3A_183] : memref<64x128xf32, #tpu.memory_space<hbm>> -> memref<1x128xf32, #tpu.memory_space<hbm>>
    %dma_start3A_185 = tpu.memref_squeeze %dma_start3A_184 : memref<1x128xf32, #tpu.memory_space<hbm>> -> memref<128xf32, #tpu.memory_space<hbm>>
    tpu.enqueue_dma source(%dma_start3A_185 : memref<128xf32, #tpu.memory_space<hbm>>) target(%dma_start3A_182 : memref<128xf32, #tpu.memory_space<vmem>>) target_semaphore(%arg13 : memref<!tpu.dma_semaphore, #tpu.memory_space<semaphore_mem>>)
    %parallel_loop3A_186 = arith.constant 0 : i32
    %parallel_loop3A_187 = arith.constant 16384 : i32
    %parallel_loop3A_188 = arith.constant 16 : i32
    scf.for %parallel_loop3A_234 = %parallel_loop3A_186 to %parallel_loop3A_187 step %parallel_loop3A_188  : i32 {
      %parallel_loop3A_235 = arith.index_cast %parallel_loop3A_234 : i32 to index
      %parallel_loop3A_236 = tpu.vector_load %arg8[%parallel_loop3A_235] {strides = array<i32>} : memref<16384xi32, #tpu.memory_space<vmem>>, vector<16xi32>,
      %parallel_loop3A_237 = arith.constant 33408 : i32
      %parallel_loop3A_238 = vector.broadcast %parallel_loop3A_237 : i32 to vector<16xi32>
      %parallel_loop3A_239 = arith.subi %parallel_loop3A_236, %parallel_loop3A_238 : vector<16xi32>
      %parallel_loop3A_240 = vector.bitcast %parallel_loop3A_239 : vector<16xi32> to vector<16xi32>
      %parallel_loop3A_241 = arith.constant 33408 : i32
      %parallel_loop3A_242 = vector.broadcast %parallel_loop3A_241 : i32 to vector<16xi32>
      %parallel_loop3A_243 = arith.cmpi ult, %parallel_loop3A_240, %parallel_loop3A_242 : vector<16xi32>
      %parallel_loop3A_244 = tpu.vector_load_idx %arg6[%parallel_loop3A_239] masked %parallel_loop3A_243 : memref<33408xf32, #tpu.memory_space<vmem>>[vector<16xi32>], vector<16xf32>, vector<16xi1>
      %parallel_loop3A_245 = vector.broadcast %parallel_loop3A_234 : i32 to vector<16xi32>
      %parallel_loop3A_246 = arith.addi %iota3A, %parallel_loop3A_245 : vector<16xi32>
      tpu.vector_store_idx %arg10[%parallel_loop3A_246], %parallel_loop3A_244 masked %parallel_loop3A_243 : memref<16384xf32, #tpu.memory_space<vmem>>[vector<16xi32>], vector<16xf32>, vector<16xi1>
    } {sc.loop_unroll_factor = 4 : i64, sc.parallel_access}
    %dma_wait3A_189 = arith.constant 0 : i32
    %dma_wait3A_190 = tpu.memref_slice %arg7[%dma_wait3A_189] : memref<33408xf32, #tpu.memory_space<vmem>> -> memref<33152xf32, #tpu.memory_space<vmem>>
    %dma_wait3A_191 = arith.constant 66816 : i32
    %dma_wait3A_192 = tpu.memref_slice %arg3[%add3A_165, %dma_wait3A_191] : memref<64x100001xf32, #tpu.memory_space<hbm>> -> memref<1x33152xf32, #tpu.memory_space<hbm>>
    %dma_wait3A_193 = tpu.memref_squeeze %dma_wait3A_192 : memref<1x33152xf32, #tpu.memory_space<hbm>> -> memref<33152xf32, #tpu.memory_space<hbm>>
    %dma_wait3A_194 = arith.constant 0 : i32
    %dma_wait3A_195 = tpu.memref_slice %arg7[%dma_wait3A_194] : memref<33408xf32, #tpu.memory_space<vmem>> -> memref<33152xf32, #tpu.memory_space<vmem>>
    %dma_wait3A_196 = arith.constant 66816 : i32
    %dma_wait3A_197 = tpu.memref_slice %arg3[%add3A_165, %dma_wait3A_196] : memref<64x100001xf32, #tpu.memory_space<hbm>> -> memref<1x33152xf32, #tpu.memory_space<hbm>>
    %dma_wait3A_198 = tpu.memref_squeeze %dma_wait3A_197 : memref<1x33152xf32, #tpu.memory_space<hbm>> -> memref<33152xf32, #tpu.memory_space<hbm>>
    tpu.wait_dma2 semaphore(%arg13 : memref<!tpu.dma_semaphore, #tpu.memory_space<semaphore_mem>>) src(%dma_wait3A_198 : memref<33152xf32, #tpu.memory_space<hbm>>) dst(%dma_wait3A_195 : memref<33152xf32, #tpu.memory_space<vmem>>)
    %dma_wait3A_199 = arith.constant 33152 : i32
    %dma_wait3A_200 = tpu.memref_slice %arg7[%dma_wait3A_199] : memref<33408xf32, #tpu.memory_space<vmem>> -> memref<128xf32, #tpu.memory_space<vmem>>
    %dma_wait3A_201 = arith.constant 0 : i32
    %dma_wait3A_202 = tpu.memref_slice %arg4[%add3A_165, %dma_wait3A_201] : memref<64x128xf32, #tpu.memory_space<hbm>> -> memref<1x128xf32, #tpu.memory_space<hbm>>
    %dma_wait3A_203 = tpu.memref_squeeze %dma_wait3A_202 : memref<1x128xf32, #tpu.memory_space<hbm>> -> memref<128xf32, #tpu.memory_space<hbm>>
    %dma_wait3A_204 = arith.constant 33152 : i32
    %dma_wait3A_205 = tpu.memref_slice %arg7[%dma_wait3A_204] : memref<33408xf32, #tpu.memory_space<vmem>> -> memref<128xf32, #tpu.memory_space<vmem>>
    %dma_wait3A_206 = arith.constant 0 : i32
    %dma_wait3A_207 = tpu.memref_slice %arg4[%add3A_165, %dma_wait3A_206] : memref<64x128xf32, #tpu.memory_space<hbm>> -> memref<1x128xf32, #tpu.memory_space<hbm>>
    %dma_wait3A_208 = tpu.memref_squeeze %dma_wait3A_207 : memref<1x128xf32, #tpu.memory_space<hbm>> -> memref<128xf32, #tpu.memory_space<hbm>>
    tpu.wait_dma2 semaphore(%arg13 : memref<!tpu.dma_semaphore, #tpu.memory_space<semaphore_mem>>) src(%dma_wait3A_208 : memref<128xf32, #tpu.memory_space<hbm>>) dst(%dma_wait3A_205 : memref<128xf32, #tpu.memory_space<vmem>>)
    %parallel_loop3A_209 = arith.constant 0 : i32
    %parallel_loop3A_210 = arith.constant 16384 : i32
    %parallel_loop3A_211 = arith.constant 16 : i32
    scf.for %parallel_loop3A_234 = %parallel_loop3A_209 to %parallel_loop3A_210 step %parallel_loop3A_211  : i32 {
      %parallel_loop3A_235 = arith.index_cast %parallel_loop3A_234 : i32 to index
      %parallel_loop3A_236 = tpu.vector_load %arg8[%parallel_loop3A_235] {strides = array<i32>} : memref<16384xi32, #tpu.memory_space<vmem>>, vector<16xi32>,
      %parallel_loop3A_237 = arith.constant 66816 : i32
      %parallel_loop3A_238 = vector.broadcast %parallel_loop3A_237 : i32 to vector<16xi32>
      %parallel_loop3A_239 = arith.subi %parallel_loop3A_236, %parallel_loop3A_238 : vector<16xi32>
      %parallel_loop3A_240 = vector.bitcast %parallel_loop3A_239 : vector<16xi32> to vector<16xi32>
      %parallel_loop3A_241 = arith.constant 33185 : i32
      %parallel_loop3A_242 = vector.broadcast %parallel_loop3A_241 : i32 to vector<16xi32>
      %parallel_loop3A_243 = arith.cmpi ult, %parallel_loop3A_240, %parallel_loop3A_242 : vector<16xi32>
      %parallel_loop3A_244 = tpu.vector_load_idx %arg7[%parallel_loop3A_239] masked %parallel_loop3A_243 : memref<33408xf32, #tpu.memory_space<vmem>>[vector<16xi32>], vector<16xf32>, vector<16xi1>
      %parallel_loop3A_245 = vector.broadcast %parallel_loop3A_234 : i32 to vector<16xi32>
      %parallel_loop3A_246 = arith.addi %iota3A, %parallel_loop3A_245 : vector<16xi32>
      tpu.vector_store_idx %arg10[%parallel_loop3A_246], %parallel_loop3A_244 masked %parallel_loop3A_243 : memref<16384xf32, #tpu.memory_space<vmem>>[vector<16xi32>], vector<16xf32>, vector<16xi1>
    } {sc.loop_unroll_factor = 4 : i64, sc.parallel_access}
    %mul3A_212 = arith.constant 2 : i32
    %mul3A_213 = arith.muli %add3A, %mul3A_212 : i32
    %add3A_214 = arith.constant 1 : i32
    %add3A_215 = arith.addi %mul3A_213, %add3A_214 : i32
    %dma_start3A_216 = arith.constant 0 : i32
    %dma_start3A_217 = tpu.memref_slice %arg5[%add3A_215, %dma_start3A_216] : memref<64x16384xf32, #tpu.memory_space<hbm>> -> memref<1x16384xf32, #tpu.memory_space<hbm>>
    %dma_start3A_218 = tpu.memref_squeeze %dma_start3A_217 : memref<1x16384xf32, #tpu.memory_space<hbm>> -> memref<16384xf32, #tpu.memory_space<hbm>>
    %dma_start3A_219 = arith.constant 0 : i32
    %dma_start3A_220 = tpu.memref_slice %arg5[%add3A_215, %dma_start3A_219] : memref<64x16384xf32, #tpu.memory_space<hbm>> -> memref<1x16384xf32, #tpu.memory_space<hbm>>
    %dma_start3A_221 = tpu.memref_squeeze %dma_start3A_220 : memref<1x16384xf32, #tpu.memory_space<hbm>> -> memref<16384xf32, #tpu.memory_space<hbm>>
    tpu.enqueue_dma source(%arg10 : memref<16384xf32, #tpu.memory_space<vmem>>) target(%dma_start3A_221 : memref<16384xf32, #tpu.memory_space<hbm>>) target_semaphore(%arg14 : memref<!tpu.dma_semaphore, #tpu.memory_space<semaphore_mem>>)
    %dma_wait3A_222 = arith.constant 0 : i32
    %dma_wait3A_223 = tpu.memref_slice %arg5[%add3A_118, %dma_wait3A_222] : memref<64x16384xf32, #tpu.memory_space<hbm>> -> memref<1x16384xf32, #tpu.memory_space<hbm>>
    %dma_wait3A_224 = tpu.memref_squeeze %dma_wait3A_223 : memref<1x16384xf32, #tpu.memory_space<hbm>> -> memref<16384xf32, #tpu.memory_space<hbm>>
    %dma_wait3A_225 = arith.constant 0 : i32
    %dma_wait3A_226 = tpu.memref_slice %arg5[%add3A_118, %dma_wait3A_225] : memref<64x16384xf32, #tpu.memory_space<hbm>> -> memref<1x16384xf32, #tpu.memory_space<hbm>>
    %dma_wait3A_227 = tpu.memref_squeeze %dma_wait3A_226 : memref<1x16384xf32, #tpu.memory_space<hbm>> -> memref<16384xf32, #tpu.memory_space<hbm>>
    tpu.wait_dma2 semaphore(%arg14 : memref<!tpu.dma_semaphore, #tpu.memory_space<semaphore_mem>>) src(%arg9 : memref<16384xf32, #tpu.memory_space<vmem>>) dst(%dma_wait3A_227 : memref<16384xf32, #tpu.memory_space<hbm>>)
    %dma_wait3A_228 = arith.constant 0 : i32
    %dma_wait3A_229 = tpu.memref_slice %arg5[%add3A_215, %dma_wait3A_228] : memref<64x16384xf32, #tpu.memory_space<hbm>> -> memref<1x16384xf32, #tpu.memory_space<hbm>>
    %dma_wait3A_230 = tpu.memref_squeeze %dma_wait3A_229 : memref<1x16384xf32, #tpu.memory_space<hbm>> -> memref<16384xf32, #tpu.memory_space<hbm>>
    %dma_wait3A_231 = arith.constant 0 : i32
    %dma_wait3A_232 = tpu.memref_slice %arg5[%add3A_215, %dma_wait3A_231] : memref<64x16384xf32, #tpu.memory_space<hbm>> -> memref<1x16384xf32, #tpu.memory_space<hbm>>
    %dma_wait3A_233 = tpu.memref_squeeze %dma_wait3A_232 : memref<1x16384xf32, #tpu.memory_space<hbm>> -> memref<16384xf32, #tpu.memory_space<hbm>>
    tpu.wait_dma2 semaphore(%arg14 : memref<!tpu.dma_semaphore, #tpu.memory_space<semaphore_mem>>) src(%arg10 : memref<16384xf32, #tpu.memory_space<vmem>>) dst(%dma_wait3A_233 : memref<16384xf32, #tpu.memory_space<hbm>>)
    return
  }
}

</mosaic_0001>

<sc_bundles>
// kernel: kernel.3.cloned.1.call-start
scs
__scs_entry_jumppad:
0x0: {  	(pc) =	sbr.rel $0x88, $3  }
0x1: {  	(tag) =	ssettag $0x0;
	lr =	simm.s32 $0x1  }
0x2: {  	[smem:$0x3F9F] =	sst lr;
	_ =	strace $0xD0000000  }
0x3: {  	_ = 	snop  }
0x4: {  	_ = 	snop  }
0x5: {  	_ = 	snop  }
0x6: {  	_ = 	snop  }
0x7: {  	_ = 	snop  }
__scs_overlays_trampoline_lowered:
0x8: {  	[smem:$0x3FAE] =	sst s0  }
0x9: {  	[smem:$0x3FAF] =	sst s1  }
0xa: {  	[smem:$0x3FB0] =	sst s2  }
0xb: {  	[smem:$0x3FB1] =	sst s3  }
0xc: {  	[smem:$0x3FB2] =	sst s4  }
0xd: {  	[smem:$0x3FB3] =	sst s5  }
0xe: {  	[smem:$0x3FB4] =	sst s6  }
0xf: {  	[smem:$0x3FB5] =	sst s7  }
0x10: {  	[smem:$0x3FB6] =	sst s8  }
0x11: {  	[smem:$0x3FB7] =	sst s9;
	s0 =	simm.s32 @!p0 $0x0  }
0x12: {  	s1 =	sld [smem:$0x3F9D];
	s0 =	simm.s32 @p0 $0x1  }
0x13: {  	[smem:$0x3FB8] =	sst s0;
	s0 =	simm.s32 @!p1 $0x0  }
0x14: {  	s2 =	sld [smem:$0x3F9C];
	s0 =	simm.s32 @p1 $0x1  }
0x15: {  	[smem:$0x3FB9] =	sst s0;
	s0 =	simm.s32 @!p2 $0x0  }
0x16: {  	s3 =	sld [smem:$0x3FDB];
	s0 =	simm.s32 @p2 $0x1  }
0x17: {  	s4 =	simm.s32 $0x1BF5;
	[smem:$0x3FBB] =	sst s0  }
0x18: {  	s0 =	sld [smem:$0x3F9E];
	_ =	swait.ge [sflag:s4], $0x0  }
0x19: {  	s7 =	sld [smem:$0x3F9F]  }
0x1a: {  	s8 =	sadd.s32 $0xFFFFE003, lr  }
0x1b: {  	s9 =	sadd.s32 $0xFFFFFEF7, lr;
	s5 =	simm.s32 $0xFFFFFFFF;
	p2 =	slt.u32 s8, $0xFFFFF086  }
0x1c: {  	p1 =	slt.u32 s9, $0xF7A;
	s5 =	simm.s32 @!p2 $0x0  }
0x1d: {  	s5 =	simm.s32 @p1 $0x1;
	p0 =	seq.s32 s7, s2  }
0x1e: {  	s7 =	smul.u32 @!p0 $0xF7A, s2;
	p2 =	seq.s32 @!p0 s5, $0x0  }
0x1f: {  	s9 =	smul.u32 $0xF7A, s1;
	s8 =	simm.s32 @!p0 $0x1BF5;
	p2 =	por !p2, p0  }
0x20: {  	[sflag:s8] =	ssyncset.s32 @!p0 $0xFFFFF086;
	s6 =	sadd.s32 @!p0 s3, s7;
	s7 =	simm.s32 @!p0 $0x108  }
0x21: {  	s3 =	sadd.s32 s3, s9;
	s6 =	sadd.s32 @!p0 $0x88, s6;
	s7 =	simm.s32 @p2 $0x1082  }
0x22: {  	[simem:s7], [sflag:s8] =	dma.local @!p0 [hbm:s6], $0xF7A  }
0x23: {  	s9 =	sor.u32 $0xD0000000, s2;
	s6 =	simm.s32 $0x108;
	_ =	swait.ge @!p0 [sflag:s8], $0x0  }
0x24: {  	s3 =	sadd.s32 $0x88, s3;
	s6 =	simm.s32 @!p1 $0x1082;
	[sflag:s4] =	ssyncset.s32 $0xFFFFF086  }
0x25: {  	[simem:s6], [sflag:s4] =	dma.local [hbm:s3], $0xF7A  }
0x26: {  	[smem:$0x3F9F] =	sst s1;
	(tag) =	ssettag s2;
	_ =	strace s9  }
0x27: {  	s1 =	sld [smem:$0x3FAF]  }
0x28: {  	s2 =	sld [smem:$0x3FB0]  }
0x29: {  	s4 =	sld [smem:$0x3FB2]  }
0x2a: {  	p0 =	seq.s32 s5, $0x0;
	s5 =	sld [smem:$0x3FB3]  }
0x2b: {  	s6 =	sld [smem:$0x3FB4]  }
0x2c: {  	s7 =	sld [smem:$0x3FB5]  }
0x2d: {  	s3 =	simm.s32 $0x108;
	s8 =	sld [smem:$0x3FB6]  }
0x2e: {  	s3 =	simm.s32 @!p0 $0x1082;
	s9 =	sld [smem:$0x3FB7]  }
0x2f: {  	lr =	sadd.s32 s0, s3;
	s0 =	sld [smem:$0x3FAE]  }
0x30: {  	s3 =	sld [smem:$0x3FB1]  }
0x31: {  	[smem:$0x3FBA] =	sst s10  }
0x32: {  	s10 =	sld [smem:$0x3FB8];
	_ =	sdelay $0x3  }
0x33: {  	p0 =	seq.s32 s10, $0x1;
	s10 =	sld [smem:$0x3FBA];
	_ =	sdelay $0x3  }
0x34: {  	[smem:$0x3FBA] =	sst s10  }
0x35: {  	s10 =	sld [smem:$0x3FB9];
	_ =	sdelay $0x3  }
0x36: {  	p1 =	seq.s32 s10, $0x1;
	s10 =	sld [smem:$0x3FBA];
	_ =	sdelay $0x3  }
0x37: {  	[smem:$0x3FBA] =	sst s10  }
0x38: {  	s10 =	sld [smem:$0x3FBB]  }
0x39: {  	_ = 	snop;
	(pc) =	sbr.ind lr, $3  }
0x3a: {  	_ = 	snop  }
0x3b: {  	_ = 	snop  }
0x3c: {  	p2 =	seq.s32 s10, $0x1;
	s10 =	sld [smem:$0x3FBA]  }
0x3d: {  	_ =	shalt  }
0x3e: {  	_ =	shalt  }
0x3f: {  	_ =	shalt  }
0x40: {  	_ =	shalt  }
0x41: {  	_ =	shalt  }
0x42: {  	_ =	shalt  }
0x43: {  	_ =	shalt  }
0x44: {  	_ =	shalt  }
0x45: {  	_ =	shalt  }
0x46: {  	_ =	shalt  }
0x47: {  	_ =	shalt  }
0x48: {  	_ =	shalt  }
0x49: {  	_ =	shalt  }
0x4a: {  	_ =	shalt  }
0x4b: {  	_ =	shalt  }
0x4c: {  	_ =	shalt  }
0x4d: {  	_ =	shalt  }
0x4e: {  	_ =	shalt  }
0x4f: {  	_ =	shalt  }
0x50: {  	_ =	shalt  }
0x51: {  	_ =	shalt  }
0x52: {  	_ =	shalt  }
0x53: {  	_ =	shalt  }
0x54: {  	_ =	shalt  }
0x55: {  	_ =	shalt  }
0x56: {  	_ =	shalt  }
0x57: {  	_ =	shalt  }
0x58: {  	_ =	shalt  }
0x59: {  	_ =	shalt  }
0x5a: {  	_ =	shalt  }
0x5b: {  	_ =	shalt  }
0x5c: {  	_ =	shalt  }
0x5d: {  	_ =	shalt  }
0x5e: {  	_ =	shalt  }
0x5f: {  	_ =	shalt  }
0x60: {  	_ =	shalt  }
0x61: {  	_ =	shalt  }
0x62: {  	_ =	shalt  }
0x63: {  	_ =	shalt  }
0x64: {  	_ =	shalt  }
0x65: {  	_ =	shalt  }
0x66: {  	_ =	shalt  }
0x67: {  	_ =	shalt  }
0x68: {  	_ =	shalt  }
0x69: {  	_ =	shalt  }
0x6a: {  	_ =	shalt  }
0x6b: {  	_ =	shalt  }
0x6c: {  	_ =	shalt  }
0x6d: {  	_ =	shalt  }
0x6e: {  	_ =	shalt  }
0x6f: {  	_ =	shalt  }
0x70: {  	_ =	shalt  }
0x71: {  	_ =	shalt  }
0x72: {  	_ =	shalt  }
0x73: {  	_ =	shalt  }
0x74: {  	_ =	shalt  }
0x75: {  	_ =	shalt  }
0x76: {  	_ =	shalt  }
0x77: {  	_ =	shalt  }
0x78: {  	_ =	shalt  }
0x79: {  	_ =	shalt  }
0x7a: {  	_ =	shalt  }
0x7b: {  	_ =	shalt  }
0x7c: {  	_ =	shalt  }
0x7d: {  	_ =	shalt  }
0x7e: {  	_ =	shalt  }
0x7f: {  	_ =	shalt  }
0x80: {  	_ =	shalt  }
0x81: {  	_ =	shalt  }
0x82: {  	_ =	shalt  }
0x83: {  	_ =	shalt  }
0x84: {  	_ =	shalt  }
0x85: {  	_ =	shalt  }
0x86: {  	_ =	shalt  }
0x87: {  	_ =	shalt  }
.Lfunc_end0:
.L_simem_size_0:
called_computation_lowered:
.L_overlay_start_0:
0x88: {  	s2 =	sld [smem:$0x3FD9]  }
0x89: {  	s3 =	sld [smem:$0x3FFE];
	_ =	sdelay $0x1  }
0x8a: {  	s1 =	srdreg.scid  }
0x8b: {  	s0 =	sand.u32 $0x1, s1  }
0x8c: {  	s17 =	sshll.u32 s0, $0xA;
	s2 =	sadd.s32 s3, s2  }
0x8d: {  	s2 =	sadd.s32 s2, s17  }
0x8e: {  	[smem:$0x3FC6] =	sst s2  }
0x8f: {  	_ = 	snop  }
0x90: {  	s2 =	sld [smem:$0x3FC9]  }
0x91: {  	s18 =	sld [smem:$0x3FC8]  }
0x92: {  	s4 =	sld [smem:$0x3FD0];
	(tm) =	ssettm $0x1  }
0x93: {  	s5 =	sld [smem:$0x3FFB];
	_ =	sdelay $0x3  }
0x94: {  	_ =	strace s5  }
0x95: {  	s5 =	sld [smem:$0x3FFC];
	_ =	sdelay $0x3  }
0x96: {  	_ =	strace s5  }
0x97: {  	s5 =	sld [smem:$0x3FFD];
	_ =	sdelay $0x3  }
0x98: {  	_ =	strace s5  }
0x99: {  	_ =	strace $0x8FFFFFFF  }
0x9a: {  	s19 =	sld [smem:$0x3FDB];
	_ =	sdelay $0x1  }
0x9b: {  	s6 =	simm.s32 $_scs_section_size  }
0x9c: {  	s7 =	simm.s32 $_size__tile_overlayer_lowered;
	s8 =	simm.s32 $_tile_overlayer_lowered  }
0x9d: {  	s22 =	simm.s32 $0x1BFF;
	s21 =	sshll.u32 s8, $0x1;
	s5 =	sadd.s32 s6, s19  }
0x9e: {  	s9 =	simm.s32 $0x0;
	s20 =	sshll.u32 s7, $0x1;
	s7 =	sadd.s32 s21, s5  }
0x9f: {  	[timem:s9], [sflag:s22] =	dma.local [hbm:s7], s20  }
0xa0: {  	_ =	swait.ge [sflag:s22], s20  }
0xa1: {  	s6 =	ssub.s32 $0x0, s20;
	[sflag:s22] =	ssyncset.done $0x0  }
0xa2: {  	[sflag:s22] =	ssyncadd.s32 s6;
	_ =	sdelay $0x1  }
0xa3: {  	s23 =	simm.s32 $0x1B8B  }
0xa4: {  	_ =	swait.ge [sflag:s23], $0x1  }
0xa5: {  	[sflag:s23] =	ssyncset.done $0x0  }
0xa6: {  	s25 =	simm.s32 $0x1B8E;
	s24 =	sld [smem:$0x3FFE];
	[sflag:s23] =	ssyncadd.s32 $0xFFFFFFFF  }
0xa7: {  	s26 =	simm.s32 $execute0_lowered;
	[smem:$0x3FD2] =	sst s25  }
0xa8: {  	s7 =	sshll.u32 s26, $0x1;
	_ =	strace $0x80000046;
	[dreg:$0x1] =	wrdreg $0xFFFFFFFF  }
0xa9: {  	s28 =	simm.s32 $_size_execute0_lowered;
	s5 =	sadd.s32 s5, s7;
	[dreg:$0x0] =	wrdreg $0x0  }
0xaa: {  	s7 =	sshll.u32 s28, $0x1;
	[dreg:$0x2] =	wrdreg s5  }
0xab: {  	[dreg:$0x3] =	wrdreg s7  }
0xac: {  	[dreg:$0x4] =	wrdreg $0xC0  }
0xad: {  	_ =	task [dreg:s9], $0x5FFFF  }
0xae: {  	[dreg:$0x1] =	wrdreg $0xFFFFFFFF  }
0xaf: {  	[dreg:$0x0] =	wrdreg $0x60  }
0xb0: {  	[dreg:$0x2] =	wrdreg s2  }
0xb1: {  	[dreg:$0x3] =	wrdreg s18  }
0xb2: {  	[dreg:$0x4] =	wrdreg s24  }
0xb3: {  	[dreg:$0x5] =	wrdreg s4  }
0xb4: {  	[dreg:$0x6] =	wrdreg $0x1C5000  }
0xb5: {  	[dreg:$0x7] =	wrdreg $0x9  }
0xb6: {  	_ =	task.clear_ibuf [dreg:s9], $0x8FFFF;
	_ =	strace $0x90000046  }
0xb7: {  	s29 =	simm.s32 $0x9;
	_ =	strace $0x80000048  }
0xb8: {  	_ =	swait.ge [sflag:s29], $0x1  }
0xb9: {  	[sflag:s29] =	ssyncadd.s32 $0xFFFFFFFF  }
0xba: {  	_ =	strace $0x90000048  }
0xbb: {  	_ =	sfence  }
0xbc: {  	s30 =	sld [smem:$0x0];
	_ =	sdelay $0x2  }
0xbd: {  	s31 =	sshll.u32 s1, $0xD;
	s1 =	sshrl.u32 s1, $0x2  }
0xbe: {  	s3 =	sand.u32 $0x4000, s31;
	s1 =	sadd.s32 s1, s30  }
0xbf: {  	s0 =	sor.u32 s3, s0;
	s1 =	sshll.u32 s1, $0x11  }
0xc0: {  	s0 =	sor.u32 s1, s0  }
0xc1: {  	s0 =	sadd.s32 $0x8F2B, s0  }
0xc2: {  	[sflag:s0] =	ssyncadd.remote.s32 $0x1  }
0xc3: {  	_ =	sfence.sel $0xFFFF  }
0xc4: {  	[dreg:$0x0] =	wrdreg $0xFFFFFFFF;
	(pc) =	sbr.abs _section_cstart, $3  }
0xc5: {  	[dreg:$0x1] =	wrdreg $0xFFFFFFFF  }
0xc6: {  	_ =	task.clear_ibuf [dreg:s9], $0x2FFFF;
	_ =	strace $0x9FFFFFFF  }
0xc7: {  	(tm) =	ssettm $0x7FFFFFFF  }
tec
execute0_lowered:
.L_overlay_start_1:
0x0: {  	(tag) =	ssettag $0x1  }
0x1: {  	s11 =	rddreg [dreg:$0x1]  }
0x2: {  	s4 =	rddreg [dreg:$0x2]  }
0x3: {  	s13 =	rddreg [dreg:$0x3]  }
0x4: {  	s2 =	rddreg [dreg:$0x4];
	s3 =	simm.s32 $0x0;
	s5 =	srdreg.scid  }
0x5: {  	s15 =	stileid.u32;
	s21 =	simm.s32 $0x14500;
	[smem:$0x7FF] =	sst s3  }
0x6: {  	s5 =	sand.u32 $0x1, s5;
	s7 =	sshll.u32 s15, $0x9;
	s8 =	sshrl.u32 s15, $0x1  }
0x7: {  	s14 =	sadd.s32 $0x400, s4;
	p0 =	sne.s32 s15, $0x0;
	s15 =	simm.s32 $0x80  }
0x8: {  	s6 =	ssub.s32 $0x2, s5;
	s5 =	sshll.u32 s5, $0x8;
	s9 =	smul.u32 $0xC3800, s8  }
0x9: {  	s7 =	sand.u32 $0x200, s7;
	_ =	strace $0x80000047;
	s18 =	sshll.u32 s8, $0xA  }
0xa: {  	s20 =	sshll.u32 s8, $0x11;
	s10 =	sshrl.u32 s6, $0x1;
	s12 =	sor.u32 s5, s7  }
0xb: {  	s16 =	ssub.s32 s6, s10;
	s22 =	sor.u32 s9, s12;
	s23 =	sadd.s32 $0x41400, s9  }
0xc: {  	s17 =	sadd.s32 $0x82800, s9;
	s7 =	sor.u32 s18, s12;
	s19 =	sor.u32 $0x80, s12  }
0xd: {  	s26 =	sor.u32 s20, s12;
	s4 =	sshrl.u32 s22, $0x3;
	s5 =	sor.u32 s12, s23  }
0xe: {  	s24 =	sor.u32 s12, s17;
	s7 =	sshrl.u32 s7, $0x3;
	s25 =	sor.u32 s9, s19  }
0xf: {  	s9 =	sshrl.u32 s26, $0x3;
	s10 =	sor.u32 s23, s19;
	s28 =	sor.u32 s17, s19  }
0x10: {  	s29 =	sor.u32 s18, s19;
	s30 =	sor.u32 s20, s19;
	s18 =	simm.s32 $0x1  }
0x11: {  	s19 =	simm.s32 $0x2;
	s20 =	simm.s32 $0x8280;
	s22 =	simm.s32 $0x8180  }
0x12: {  	s23 =	simm.s32 $0x18500;
	s26 =	simm.s32 $0x0;
	s4 =	sadd.s32 s11, s4  }
0x13: {  	s5 =	sshrl.u32 s5, $0x3;
	s6 =	sshrl.u32 s24, $0x3;
	s7 =	sadd.s32 s14, s7  }
0x14: {  	s8 =	sshrl.u32 s25, $0x3;
	s9 =	sadd.s32 s13, s9;
	s10 =	sshrl.u32 s10, $0x3  }
0x15: {  	s12 =	sshrl.u32 s28, $0x3;
	s17 =	sshrl.u32 s29, $0x3;
	s31 =	sshrl.u32 s30, $0x3  }
0x16: {  	s24 =	simm.s32 $0x10400;
	s25 =	simm.s32 $0x3;
	s5 =	sadd.s32 s11, s5  }
0x17: {  	s6 =	sadd.s32 s11, s6;
	s8 =	sadd.s32 s11, s8;
	s10 =	sadd.s32 s11, s10  }
0x18: {  	s11 =	sadd.s32 s11, s12;
	s12 =	sadd.s32 s14, s17;
	s13 =	sadd.s32 s13, s31  }
0x19: {  	v0 =	vlaneseq.u32;
	s14 =	smax.u32 s16, $0x1;
	s16 =	simm.s32 $0x400;
	s17 =	simm.s32 $0x10500  }
.LBB2_1:
0x1a: {  	[tilespmem:s3], [sflag:$0x2] =	stream.strided.gather [hbm4b:s4+s15], $0x8280, s16, s15, $0x38;
	[tilespmem:$0x1C900] =	vst v63  }
0x1b: {  	s28 =	sshrl.u32 @!p0 s2, $0x3;
	s29 =	simm.s32 @!p0 $0x1C01;
	s0 =	rddreg [dreg:$0x0]  }
0x1c: {  	[spmem:s28], [sflag:s29] =	dma.local @!p0 [hbm:s0], $0x800  }
0x1d: {  	s28 =	simm.s32 @!p0 $0x1  }
0x1e: {  	_ =	swait.ge @!p0 [sflag:s28], $0x800  }
0x1f: {  	[sflag:s28] =	ssyncset.done @!p0 $0x0  }
0x20: {  	[sflag:s28] =	ssyncadd.s32 @!p0 $0xFFFFF800  }
0x21: {  	[bflag:$0x0] =	sbarrier.arrive $0xFFFF  }
0x22: {  	[tilespmem:s17], [sflag:$0x1] =	stream.linear.gather [spmem:s2], $0x4000, $0x38;
	[tilespmem:$0x1C900] =	vst v63  }
0x23: {  	_ =	swait.ge [sflag:s18], $0x4000  }
0x24: {  	[sflag:s18] =	ssyncset.done $0x0  }
0x25: {  	[sflag:s18] =	ssyncadd.s32 $0xFFFFC000  }
0x26: {  	_ =	swait.ge [sflag:s19], $0x8280  }
0x27: {  	[sflag:s19] =	ssyncset.done $0x0  }
0x28: {  	s28 =	simm.s32 $0x10520;
	[sflag:s19] =	ssyncadd.s32 $0xFFFF7D80  }
0x29: {  	[tilespmem:s20], [sflag:$0x2] =	stream.strided.gather [hbm4b:s5+s15], $0x8280, s16, s15, $0x38;
	[tilespmem:$0x1C900] =	vst v63  }
0x2a: {  	v1 =	vld [tilespmem:s28+$0x10];
	_ =	sdelay $0x1  }
0x2b: {  	v2 =	vld [tilespmem:s28+$0xFFFFFFF0]  }
0x2c: {  	v3 =	vld [tilespmem:s28+$0x0]  }
0x2d: {  	v4 =	vld [tilespmem:s28+$0xFFFFFFE0]  }
0x2e: {  	vm0 =	vlt.s32 v1, $0x827F  }
0x2f: {  	s28 =	simm.s32 $0x10560;
	v1 =	vnsel vm0, $0x827F, v1  }
0x30: {  	v7 =	vld [tilespmem:s28+$0x10];
	vm11 =	vlt.s32 v2, $0x827F  }
0x31: {  	v8 =	vld [tilespmem:s28+$0xFFFFFFF0];
	vm12 =	vlt.s32 v3, $0x827F;
	v2 =	vnsel vm11, $0x827F, v2  }
0x32: {  	v9 =	vld [tilespmem:s28+$0x0];
	vm13 =	vlt.s32 v4, $0x827F;
	v3 =	vnsel vm12, $0x827F, v3  }
0x33: {  	v6 =	vld [tilespmem:s28+$0xFFFFFFE0];
	s28 =	simm.s32 $0x30;
	v4 =	vnsel vm13, $0x827F, v4  }
0x34: {  	s30 =	simm.s32 $0x105A0;
	v5 =	vor.u32 s28, v0;
	v1 =	vld.idx.msk [tilespmem:v1+s3+$0x0], $0xffff  }
0x35: {  	v13 =	vld [tilespmem:s30+$0x10];
	s28 =	simm.s32 $0x10;
	vm14 =	vlt.s32 v7, $0x827F  }
0x36: {  	s31 =	simm.s32 $0x20;
	v12 =	vnsel vm14, $0x827F, v7;
	v7 =	vor.u32 s28, v0;
	v2 =	vld.idx.msk [tilespmem:v2+s3+$0x0], $0xffff  }
0x37: {  	v11 =	vor.u32 s31, v0;
	vm1 =	vlt.s32 v8, $0x827F;
	vm15 =	vlt.s32 v9, $0x827F;
	v3 =	vld.idx.msk [tilespmem:v3+s3+$0x0], $0xffff  }
0x38: {  	s29 =	simm.s32 $0x40;
	s31 =	simm.s32 $0xC0;
	v8 =	vnsel vm1, $0x827F, v8;
	s28 =	simm.s32 $0x80;
	v10 =	vnsel vm15, $0x827F, v9;
	v9 =	vor.u32 s3, v0;
	v4 =	vld.idx.msk [tilespmem:v4+s3+$0x0], $0xffff  }
.LBB2_2:
0x39: {  	p1 =	slt.u32 s31, $0x3FC0;
	v14 =	vld [tilespmem:s30+$0xFFFFFFF0];
	vm0 =	vlt.s32 v6, $0x827F;
	[tilespmem:v5+s21+$0x0] =	vst.idx.msk $0xffff, v1  }
0x3a: {  	v15 =	vld [tilespmem:s30+$0x0];
	v16 =	vnsel vm0, $0x827F, v6  }
0x3b: {  	s0 =	sadd.s32 $0x30, s29;
	v1 =	vld.idx.msk [tilespmem:v12+s3+$0x0], $0xffff;
	[tilespmem:v7+s21+$0x0] =	vst.idx.msk $0xffff, v2  }
.Ltmp0:
0x3c: {  	v5 =	vor.u32 s0, v0;
	v6 =	vld [tilespmem:s30+$0xFFFFFFE0];
	[tilespmem:v11+s21+$0x0] =	vst.idx.msk $0xffff, v3;
	(pc) =	sbr.rel @p1 .LBB2_2-.Ltmp0, $4  }
0x3d: {  	s0 =	sadd.s32 $0x10, s29;
	vm0 =	vlt.s32 v13, $0x827F;
	v2 =	vld.idx.msk [tilespmem:v8+s3+$0x0], $0xffff;
	[tilespmem:v9+s21+$0x0] =	vst.idx.msk $0xffff, v4  }
0x3e: {  	v7 =	vor.u32 s0, v0;
	s0 =	sadd.s32 $0x20, s29;
	vm1 =	vlt.s32 v14, $0x827F;
	v12 =	vnsel vm0, $0x827F, v13;
	v3 =	vld.idx.msk [tilespmem:v10+s3+$0x0], $0xffff  }
0x3f: {  	s30 =	sadd.s32 $0x40, s30;
	v11 =	vor.u32 s0, v0;
	v8 =	vnsel vm1, $0x827F, v14;
	vm0 =	vlt.s32 v15, $0x827F;
	v4 =	vld.idx.msk [tilespmem:v16+s3+$0x0], $0xffff  }
0x40: {  	v9 =	vor.u32 s29, v0;
	s29 =	smov.u32 s28;
	s28 =	smov.u32 s31;
	s31 =	sadd.s32 $0x40, s31;
	v13 =	vld [tilespmem:s30+$0x10];
	v10 =	vnsel vm0, $0x827F, v15  }
0x41: {  	v14 =	vld [tilespmem:s30+$0xFFFFFFF0]  }
0x42: {  	v15 =	vld [tilespmem:s30+$0x0]  }
0x43: {  	v16 =	vld [tilespmem:s30+$0xFFFFFFE0]  }
0x44: {  	vm0 =	vlt.s32 v6, $0x827F  }
0x45: {  	v6 =	vnsel vm0, $0x827F, v6;
	vm0 =	vlt.s32 v13, $0x827F  }
0x46: {  	s0 =	sadd.s32 $0x30, s29;
	vm1 =	vlt.s32 v14, $0x827F;
	v13 =	vnsel vm0, $0x827F, v13  }
0x47: {  	v12 =	vld.idx.msk [tilespmem:v12+s3+$0x0], $0xffff;
	s1 =	sadd.s32 $0x10, s29;
	v17 =	vor.u32 s0, v0;
	vm0 =	vlt.s32 v15, $0x827F;
	v14 =	vnsel vm1, $0x827F, v14  }
0x48: {  	[tilespmem:v5+s21+$0x0] =	vst.idx.msk $0xffff, v1;
	v1 =	vld.idx.msk [tilespmem:v8+s3+$0x0], $0xffff;
	v5 =	vor.u32 s1, v0;
	s1 =	sadd.s32 $0x20, s29;
	v8 =	vnsel vm0, $0x827F, v15;
	vm0 =	vlt.s32 v16, $0x827F  }
0x49: {  	[tilespmem:v7+s21+$0x0] =	vst.idx.msk $0xffff, v2;
	v2 =	vld.idx.msk [tilespmem:v10+s3+$0x0], $0xffff;
	v7 =	vor.u32 s1, v0;
	v10 =	vnsel vm0, $0x827F, v16  }
0x4a: {  	[tilespmem:v11+s21+$0x0] =	vst.idx.msk $0xffff, v3;
	s1 =	sadd.s32 $0x30, s28;
	v3 =	vld.idx.msk [tilespmem:v6+s3+$0x0], $0xffff;
	v6 =	vor.u32 s29, v0  }
0x4b: {  	[tilespmem:v9+s21+$0x0] =	vst.idx.msk $0xffff, v4;
	v9 =	vor.u32 s1, v0;
	s1 =	sadd.s32 $0x10, s28;
	v4 =	vld.idx.msk [tilespmem:v13+s3+$0x0], $0xffff  }
0x4c: {  	[tilespmem:v17+s21+$0x0] =	vst.idx.msk $0xffff, v12;
	v12 =	vor.u32 s1, v0;
	s1 =	sadd.s32 $0x20, s28;
	v11 =	vld.idx.msk [tilespmem:v14+s3+$0x0], $0xffff  }
0x4d: {  	[tilespmem:v5+s21+$0x0] =	vst.idx.msk $0xffff, v1;
	v5 =	vor.u32 s1, v0;
	v1 =	vld.idx.msk [tilespmem:v8+s3+$0x0], $0xffff  }
0x4e: {  	[tilespmem:v7+s21+$0x0] =	vst.idx.msk $0xffff, v2;
	v7 =	vor.u32 s28, v0;
	v2 =	vld.idx.msk [tilespmem:v10+s3+$0x0], $0xffff  }
0x4f: {  	[tilespmem:v6+s21+$0x0] =	vst.idx.msk $0xffff, v3  }
0x50: {  	[tilespmem:v9+s21+$0x0] =	vst.idx.msk $0xffff, v4  }
0x51: {  	[tilespmem:v12+s21+$0x0] =	vst.idx.msk $0xffff, v11  }
0x52: {  	[tilespmem:v5+s21+$0x0] =	vst.idx.msk $0xffff, v1  }
0x53: {  	[tilespmem:v7+s21+$0x0] =	vst.idx.msk $0xffff, v2  }
0x54: {  	_ =	swait.ge [sflag:s19], $0x8280  }
0x55: {  	[sflag:s19] =	ssyncset.done $0x0  }
0x56: {  	s1 =	simm.s32 $0x0;
	[sflag:s19] =	ssyncadd.s32 $0xFFFF7D80  }
0x57: {  	[tilespmem:s1], [sflag:$0x2] =	stream.strided.gather [hbm4b:s6+s15], $0x8180, s16, s15, $0x38;
	[tilespmem:$0x1C900] =	vst v63  }
0x58: {  	s28 =	simm.s32 $0x10520  }
0x59: {  	[tilespmem:s22], [sflag:$0x2] =	stream.linear.gather [hbm4b:s7+s1], $0x80, $0x38;
	[tilespmem:$0x1C900] =	vst v63  }
0x5a: {  	v1 =	vld [tilespmem:s28+$0x10]  }
0x5b: {  	v2 =	vld [tilespmem:s28+$0xFFFFFFF0]  }
0x5c: {  	v3 =	vld [tilespmem:s28+$0x0]  }
0x5d: {  	v4 =	vld [tilespmem:s28+$0xFFFFFFE0];
	_ =	sdelay $0x1  }
0x5e: {  	s28 =	simm.s32 $0x10560;
	v1 =	vadd.s32 $0xFFFF7D80, v1  }
0x5f: {  	v5 =	vld [tilespmem:s28+$0x10];
	v2 =	vadd.s32 $0xFFFF7D80, v2;
	vm0 =	vlt.u32 v1, $0x8280  }
0x60: {  	v3 =	vadd.s32 $0xFFFF7D80, v3;
	vm1 =	vlt.u32 v2, $0x8280  }
0x61: {  	v6 =	vadd.s32 $0xFFFF7D80, v4;
	v4 =	vld [tilespmem:s28+$0xFFFFFFF0];
	vm4 =	vlt.u32 v3, $0x8280  }
0x62: {  	v8 =	vld [tilespmem:s28+$0x0];
	vm6 =	vlt.u32 v6, $0x8280  }
0x63: {  	s30 =	simm.s32 $0x105A0;
	s29 =	simm.s32 $0x10;
	v12 =	vld [tilespmem:s28+$0xFFFFFFE0]  }
0x64: {  	v10 =	vor.u32 s29, v0;
	v13 =	vld [tilespmem:s30+$0x10];
	s28 =	simm.s32 $0x30;
	v5 =	vadd.s32 $0xFFFF7D80, v5;
	vm3 =	vmmov vm0  }
0x65: {  	v9 =	vor.u32 s28, v0;
	s28 =	simm.s32 $0x20;
	vm2 =	vmmov vm1;
	vm5 =	vlt.u32 v5, $0x8280;
	v1 =	vld.idx.msk [tilespmem:v1+s20+$0x0], vm0  }
0x66: {  	v11 =	vor.u32 s28, v0;
	v4 =	vadd.s32 $0xFFFF7D80, v4;
	vm0 =	vmmov vm4;
	v2 =	vld.idx.msk [tilespmem:v2+s20+$0x0], vm1  }
0x67: {  	vm1 =	vmmov vm6;
	v7 =	vld.idx.msk [tilespmem:v3+s20+$0x0], vm4;
	vm4 =	vlt.u32 v4, $0x8280;
	v3 =	vadd.s32 $0xFFFF7D80, v8  }
0x68: {  	s31 =	simm.s32 $0xC0;
	s29 =	simm.s32 $0x40;
	s28 =	simm.s32 $0x80;
	v6 =	vld.idx.msk [tilespmem:v6+s20+$0x0], vm6;
	v8 =	vadd.s32 $0xFFFF7D80, v12;
	v12 =	vor.u32 s1, v0;
	vm6 =	vlt.u32 v3, $0x8280  }
.LBB2_4:
0x69: {  	p1 =	slt.u32 s31, $0x3FC0;
	v14 =	vld [tilespmem:s30+$0xFFFFFFF0];
	vm7 =	vlt.u32 v8, $0x8280  }
0x6a: {  	v15 =	vld [tilespmem:s30+$0x0];
	[tilespmem:v9+s21+$0x0] =	vst.idx.msk vm3, v1;
	vm3 =	vmmov vm5  }
0x6b: {  	v16 =	vld [tilespmem:s30+$0xFFFFFFE0];
	[tilespmem:v10+s21+$0x0] =	vst.idx.msk vm2, v2;
	vm2 =	vmmov vm4  }
.Ltmp1:
0x6c: {  	s0 =	sadd.s32 $0x30, s29;
	v1 =	vld.idx.msk [tilespmem:v5+s20+$0x0], vm5;
	[tilespmem:v11+s21+$0x0] =	vst.idx.msk vm0, v7;
	vm0 =	vmmov vm6;
	(pc) =	sbr.rel @p1 .LBB2_4-.Ltmp1, $4  }
0x6d: {  	s1 =	sadd.s32 $0x10, s29;
	v9 =	vor.u32 s0, v0;
	v5 =	vadd.s32 $0xFFFF7D80, v13;
	v2 =	vld.idx.msk [tilespmem:v4+s20+$0x0], vm4;
	[tilespmem:v12+s21+$0x0] =	vst.idx.msk vm1, v6;
	vm1 =	vmmov vm7  }
0x6e: {  	s0 =	sadd.s32 $0x20, s29;
	v10 =	vor.u32 s1, v0;
	v4 =	vadd.s32 $0xFFFF7D80, v14;
	vm5 =	vlt.u32 v5, $0x8280;
	v7 =	vld.idx.msk [tilespmem:v3+s20+$0x0], vm6  }
0x6f: {  	s30 =	sadd.s32 $0x40, s30;
	v11 =	vor.u32 s0, v0;
	vm4 =	vlt.u32 v4, $0x8280;
	v3 =	vadd.s32 $0xFFFF7D80, v15;
	v6 =	vld.idx.msk [tilespmem:v8+s20+$0x0], vm7  }
0x70: {  	v12 =	vor.u32 s29, v0;
	s29 =	smov.u32 s28;
	s28 =	smov.u32 s31;
	s31 =	sadd.s32 $0x40, s31;
	v13 =	vld [tilespmem:s30+$0x10];
	v8 =	vadd.s32 $0xFFFF7D80, v16;
	vm6 =	vlt.u32 v3, $0x8280  }
0x71: {  	v14 =	vld [tilespmem:s30+$0xFFFFFFF0]  }
0x72: {  	v15 =	vld [tilespmem:s30+$0x0]  }
0x73: {  	v16 =	vld [tilespmem:s30+$0xFFFFFFE0];
	_ =	sdelay $0x1  }
0x74: {  	vm8 =	vlt.u32 v8, $0x8280;
	v13 =	vadd.s32 $0xFFFF7D80, v13  }
0x75: {  	vm9 =	vmmov vm5;
	v14 =	vadd.s32 $0xFFFF7D80, v14;
	vm10 =	vlt.u32 v13, $0x8280  }
0x76: {  	vm7 =	vmmov vm4;
	s0 =	sadd.s32 $0x30, s29;
	v15 =	vadd.s32 $0xFFFF7D80, v15;
	vm11 =	vlt.u32 v14, $0x8280  }
0x77: {  	v5 =	vld.idx.msk [tilespmem:v5+s20+$0x0], vm5;
	s1 =	sadd.s32 $0x10, s29;
	v17 =	vor.u32 s0, v0;
	v16 =	vadd.s32 $0xFFFF7D80, v16;
	vm5 =	vlt.u32 v15, $0x8280  }
0x78: {  	[tilespmem:v9+s21+$0x0] =	vst.idx.msk vm3, v1;
	vm3 =	vmmov vm6;
	v1 =	vld.idx.msk [tilespmem:v4+s20+$0x0], vm4;
	v4 =	vor.u32 s1, v0;
	s1 =	sadd.s32 $0x20, s29;
	vm4 =	vlt.u32 v16, $0x8280  }
0x79: {  	[tilespmem:v10+s21+$0x0] =	vst.idx.msk vm2, v2;
	v2 =	vld.idx.msk [tilespmem:v3+s20+$0x0], vm6;
	v3 =	vor.u32 s1, v0  }
0x7a: {  	s0 =	sadd.s32 $0x30, s28;
	[tilespmem:v11+s21+$0x0] =	vst.idx.msk vm0, v7;
	v7 =	vld.idx.msk [tilespmem:v8+s20+$0x0], vm8;
	v8 =	vor.u32 s29, v0  }
0x7b: {  	s1 =	sadd.s32 $0x10, s28;
	v9 =	vor.u32 s0, v0;
	[tilespmem:v12+s21+$0x0] =	vst.idx.msk vm1, v6;
	v6 =	vld.idx.msk [tilespmem:v13+s20+$0x0], vm10  }
0x7c: {  	v10 =	vor.u32 s1, v0;
	s1 =	sadd.s32 $0x20, s28;
	[tilespmem:v17+s21+$0x0] =	vst.idx.msk vm9, v5;
	v5 =	vld.idx.msk [tilespmem:v14+s20+$0x0], vm11  }
0x7d: {  	[tilespmem:v4+s21+$0x0] =	vst.idx.msk vm7, v1;
	v4 =	vor.u32 s1, v0;
	v1 =	vld.idx.msk [tilespmem:v15+s20+$0x0], vm5  }
0x7e: {  	[tilespmem:v3+s21+$0x0] =	vst.idx.msk vm3, v2;
	v3 =	vor.u32 s28, v0;
	v2 =	vld.idx.msk [tilespmem:v16+s20+$0x0], vm4  }
0x7f: {  	[tilespmem:v8+s21+$0x0] =	vst.idx.msk vm8, v7  }
0x80: {  	[tilespmem:v9+s21+$0x0] =	vst.idx.msk vm10, v6  }
0x81: {  	[tilespmem:v10+s21+$0x0] =	vst.idx.msk vm11, v5  }
0x82: {  	[tilespmem:v4+s21+$0x0] =	vst.idx.msk vm5, v1  }
0x83: {  	[tilespmem:v3+s21+$0x0] =	vst.idx.msk vm4, v2  }
0x84: {  	_ =	swait.ge [sflag:s19], $0x8180  }
0x85: {  	[sflag:s19] =	ssyncset.done $0x0  }
0x86: {  	[sflag:s19] =	ssyncadd.s32 $0xFFFF7E80  }
0x87: {  	_ =	swait.ge [sflag:s19], $0x80  }
0x88: {  	[sflag:s19] =	ssyncset.done $0x0  }
0x89: {  	s1 =	simm.s32 $0x10520;
	[sflag:s19] =	ssyncadd.s32 $0xFFFFFF80  }
0x8a: {  	[tilespmem:s20], [sflag:$0x2] =	stream.strided.gather [hbm4b:s8+s15], $0x8280, s16, s15, $0x38;
	[tilespmem:$0x1C900] =	vst v63  }
0x8b: {  	v1 =	vld [tilespmem:s1+$0x10]  }
0x8c: {  	v2 =	vld [tilespmem:s1+$0xFFFFFFF0]  }
0x8d: {  	v3 =	vld [tilespmem:s1+$0x0]  }
0x8e: {  	v4 =	vld [tilespmem:s1+$0xFFFFFFE0];
	_ =	sdelay $0x1  }
0x8f: {  	vm0 =	vmmov vm10;
	s1 =	simm.s32 $0x10560;
	v1 =	vadd.s32 $0xFFFEFB00, v1  }
0x90: {  	vm1 =	vmmov vm11;
	v8 =	vld [tilespmem:s1+$0x0];
	v2 =	vadd.s32 $0xFFFEFB00, v2;
	vm0 =	vlt.u32 v1, $0x81A1  }
0x91: {  	vm6 =	vmmov vm5;
	v6 =	vadd.s32 $0xFFFEFB00, v3;
	v3 =	vld [tilespmem:s1+$0x10];
	vm1 =	vlt.u32 v2, $0x81A1  }
0x92: {  	vm7 =	vmmov vm4;
	v7 =	vadd.s32 $0xFFFEFB00, v4;
	v4 =	vld [tilespmem:s1+$0xFFFFFFF0];
	vm4 =	vlt.u32 v6, $0x81A1  }
0x93: {  	s0 =	simm.s32 $0x30;
	v12 =	vld [tilespmem:s1+$0xFFFFFFE0];
	vm6 =	vlt.u32 v7, $0x81A1  }
0x94: {  	s30 =	simm.s32 $0x105A0;
	v9 =	vor.u32 s0, v0;
	s0 =	simm.s32 $0x20  }
0x95: {  	vm2 =	vmmov vm8;
	v11 =	vor.u32 s0, v0;
	v13 =	vld [tilespmem:s30+$0x10];
	s1 =	simm.s32 $0x10;
	vm3 =	vmmov vm0  }
0x96: {  	v10 =	vor.u32 s1, v0;
	vm2 =	vmmov vm1;
	v5 =	vadd.s32 $0xFFFEFB00, v3;
	v1 =	vld.idx.msk [tilespmem:v1+s3+$0x0], vm0  }
0x97: {  	s1 =	simm.s32 $0x0;
	v3 =	vadd.s32 $0xFFFEFB00, v4;
	v4 =	vadd.s32 $0xFFFEFB00, v8;
	vm0 =	vmmov vm4;
	v2 =	vld.idx.msk [tilespmem:v2+s3+$0x0], vm1  }
0x98: {  	v8 =	vadd.s32 $0xFFFEFB00, v12;
	v12 =	vor.u32 s1, v0;
	vm1 =	vmmov vm6;
	v6 =	vld.idx.msk [tilespmem:v6+s3+$0x0], vm4  }
0x99: {  	s31 =	simm.s32 $0xC0;
	s29 =	simm.s32 $0x40;
	s28 =	simm.s32 $0x80;
	vm5 =	vlt.u32 v5, $0x81A1;
	vm4 =	vlt.u32 v3, $0x81A1;
	v7 =	vld.idx.msk [tilespmem:v7+s3+$0x0], vm6;
	vm6 =	vlt.u32 v4, $0x81A1  }
.LBB2_6:
0x9a: {  	p1 =	slt.u32 s31, $0x3FC0;
	v14 =	vld [tilespmem:s30+$0xFFFFFFF0];
	vm7 =	vlt.u32 v8, $0x81A1  }
0x9b: {  	v15 =	vld [tilespmem:s30+$0x0];
	[tilespmem:v9+s21+$0x0] =	vst.idx.msk vm3, v1;
	vm3 =	vmmov vm5  }
0x9c: {  	v16 =	vld [tilespmem:s30+$0xFFFFFFE0];
	[tilespmem:v10+s21+$0x0] =	vst.idx.msk vm2, v2;
	vm2 =	vmmov vm4  }
.Ltmp2:
0x9d: {  	s0 =	sadd.s32 $0x30, s29;
	v1 =	vld.idx.msk [tilespmem:v5+s3+$0x0], vm5;
	[tilespmem:v11+s21+$0x0] =	vst.idx.msk vm0, v6;
	vm0 =	vmmov vm6;
	(pc) =	sbr.rel @p1 .LBB2_6-.Ltmp2, $4  }
0x9e: {  	s1 =	sadd.s32 $0x10, s29;
	v9 =	vor.u32 s0, v0;
	v5 =	vadd.s32 $0xFFFEFB00, v13;
	v2 =	vld.idx.msk [tilespmem:v3+s3+$0x0], vm4;
	[tilespmem:v12+s21+$0x0] =	vst.idx.msk vm1, v7;
	vm1 =	vmmov vm7  }
0x9f: {  	s0 =	sadd.s32 $0x20, s29;
	v10 =	vor.u32 s1, v0;
	v3 =	vadd.s32 $0xFFFEFB00, v14;
	vm5 =	vlt.u32 v5, $0x81A1;
	v6 =	vld.idx.msk [tilespmem:v4+s3+$0x0], vm6  }
0xa0: {  	s30 =	sadd.s32 $0x40, s30;
	v11 =	vor.u32 s0, v0;
	vm4 =	vlt.u32 v3, $0x81A1;
	v4 =	vadd.s32 $0xFFFEFB00, v15;
	v7 =	vld.idx.msk [tilespmem:v8+s3+$0x0], vm7  }
0xa1: {  	v12 =	vor.u32 s29, v0;
	s29 =	smov.u32 s28;
	s28 =	smov.u32 s31;
	s31 =	sadd.s32 $0x40, s31;
	v13 =	vld [tilespmem:s30+$0x10];
	v8 =	vadd.s32 $0xFFFEFB00, v16;
	vm6 =	vlt.u32 v4, $0x81A1  }
0xa2: {  	v14 =	vld [tilespmem:s30+$0xFFFFFFF0]  }
0xa3: {  	v15 =	vld [tilespmem:s30+$0x0]  }
0xa4: {  	v16 =	vld [tilespmem:s30+$0xFFFFFFE0];
	_ =	sdelay $0x1  }
0xa5: {  	vm8 =	vlt.u32 v8, $0x81A1;
	v13 =	vadd.s32 $0xFFFEFB00, v13  }
0xa6: {  	vm9 =	vmmov vm5;
	v14 =	vadd.s32 $0xFFFEFB00, v14;
	vm10 =	vlt.u32 v13, $0x81A1  }
0xa7: {  	vm7 =	vmmov vm4;
	s0 =	sadd.s32 $0x30, s29;
	v15 =	vadd.s32 $0xFFFEFB00, v15;
	vm11 =	vlt.u32 v14, $0x81A1  }
0xa8: {  	v5 =	vld.idx.msk [tilespmem:v5+s3+$0x0], vm5;
	s1 =	sadd.s32 $0x10, s29;
	v17 =	vor.u32 s0, v0;
	v16 =	vadd.s32 $0xFFFEFB00, v16;
	vm5 =	vlt.u32 v15, $0x81A1  }
0xa9: {  	[tilespmem:v9+s21+$0x0] =	vst.idx.msk vm3, v1;
	vm3 =	vmmov vm6;
	v1 =	vld.idx.msk [tilespmem:v3+s3+$0x0], vm4;
	v3 =	vor.u32 s1, v0;
	s1 =	sadd.s32 $0x20, s29;
	vm12 =	vlt.u32 v16, $0x81A1  }
0xaa: {  	[tilespmem:v10+s21+$0x0] =	vst.idx.msk vm2, v2;
	v2 =	vld.idx.msk [tilespmem:v4+s3+$0x0], vm6;
	v4 =	vor.u32 s1, v0  }
0xab: {  	s0 =	sadd.s32 $0x30, s28;
	[tilespmem:v11+s21+$0x0] =	vst.idx.msk vm0, v6;
	v6 =	vld.idx.msk [tilespmem:v8+s3+$0x0], vm8;
	v8 =	vor.u32 s29, v0  }
0xac: {  	s1 =	sadd.s32 $0x10, s28;
	v9 =	vor.u32 s0, v0;
	[tilespmem:v12+s21+$0x0] =	vst.idx.msk vm1, v7;
	v7 =	vld.idx.msk [tilespmem:v13+s3+$0x0], vm10  }
0xad: {  	v10 =	vor.u32 s1, v0;
	s1 =	sadd.s32 $0x20, s28;
	[tilespmem:v17+s21+$0x0] =	vst.idx.msk vm9, v5;
	v5 =	vld.idx.msk [tilespmem:v14+s3+$0x0], vm11  }
0xae: {  	[tilespmem:v3+s21+$0x0] =	vst.idx.msk vm7, v1;
	v3 =	vor.u32 s1, v0;
	v1 =	vld.idx.msk [tilespmem:v15+s3+$0x0], vm5  }
0xaf: {  	[tilespmem:v4+s21+$0x0] =	vst.idx.msk vm3, v2;
	v4 =	vor.u32 s28, v0;
	v2 =	vld.idx.msk [tilespmem:v16+s3+$0x0], vm12  }
0xb0: {  	[tilespmem:v8+s21+$0x0] =	vst.idx.msk vm8, v6  }
0xb1: {  	[tilespmem:v9+s21+$0x0] =	vst.idx.msk vm10, v7  }
0xb2: {  	[tilespmem:v10+s21+$0x0] =	vst.idx.msk vm11, v5  }
0xb3: {  	[tilespmem:v3+s21+$0x0] =	vst.idx.msk vm5, v1  }
0xb4: {  	[tilespmem:v4+s21+$0x0] =	vst.idx.msk vm12, v2  }
0xb5: {  	[hbm4b:s9+s15] =	stream.strided.scatter [tilespmem:s21], [sflag:$0x3], $0x4000, s16, s15, $0x38;
	[tilespmem:$0x1C900] =	vst v63  }
0xb6: {  	_ =	swait.ge [sflag:s19], $0x8280  }
0xb7: {  	[sflag:s19] =	ssyncset.done $0x0  }
0xb8: {  	s0 =	simm.s32 $0x0;
	s1 =	simm.s32 $0x10520;
	[sflag:s19] =	ssyncadd.s32 $0xFFFF7D80  }
0xb9: {  	[tilespmem:s0], [sflag:$0x2] =	stream.strided.gather [hbm4b:s10+s15], $0x8280, s16, s15, $0x38;
	[tilespmem:$0x1C900] =	vst v63  }
0xba: {  	v1 =	vld [tilespmem:s1+$0x10];
	_ =	sdelay $0x1  }
0xbb: {  	v2 =	vld [tilespmem:s1+$0xFFFFFFF0]  }
0xbc: {  	v3 =	vld [tilespmem:s1+$0x0]  }
0xbd: {  	v4 =	vld [tilespmem:s1+$0xFFFFFFE0]  }
0xbe: {  	vm0 =	vlt.s32 v1, $0x827F  }
0xbf: {  	s1 =	simm.s32 $0x10560;
	v1 =	vnsel vm0, $0x827F, v1  }
0xc0: {  	vm13 =	vmmov vm8;
	vm15 =	vmmov vm11;
	v7 =	vld [tilespmem:s1+$0x10];
	vm11 =	vlt.s32 v2, $0x827F  }
0xc1: {  	vm9 =	vmmov vm12;
	v8 =	vld [tilespmem:s1+$0xFFFFFFF0];
	vm12 =	vlt.s32 v3, $0x827F;
	v2 =	vnsel vm11, $0x827F, v2  }
0xc2: {  	v9 =	vld [tilespmem:s1+$0x0];
	vm13 =	vlt.s32 v4, $0x827F;
	v3 =	vnsel vm12, $0x827F, v3  }
0xc3: {  	v6 =	vld [tilespmem:s1+$0xFFFFFFE0];
	s1 =	simm.s32 $0x30;
	v4 =	vnsel vm13, $0x827F, v4  }
0xc4: {  	s30 =	simm.s32 $0x105A0;
	vm14 =	vmmov vm10;
	v5 =	vor.u32 s1, v0;
	v1 =	vld.idx.msk [tilespmem:v1+s20+$0x0], $0xffff  }
0xc5: {  	v13 =	vld [tilespmem:s30+$0x10];
	s1 =	simm.s32 $0x10;
	vm14 =	vlt.s32 v7, $0x827F  }
0xc6: {  	vm2 =	vmmov vm5;
	v12 =	vnsel vm14, $0x827F, v7;
	v7 =	vor.u32 s1, v0;
	s1 =	simm.s32 $0x20;
	v2 =	vld.idx.msk [tilespmem:v2+s20+$0x0], $0xffff  }
0xc7: {  	vm1 =	vlt.s32 v8, $0x827F;
	vm15 =	vlt.s32 v9, $0x827F;
	v11 =	vor.u32 s1, v0;
	v3 =	vld.idx.msk [tilespmem:v3+s20+$0x0], $0xffff  }
0xc8: {  	s31 =	simm.s32 $0xC0;
	s29 =	simm.s32 $0x40;
	s28 =	simm.s32 $0x80;
	v8 =	vnsel vm1, $0x827F, v8;
	v10 =	vnsel vm15, $0x827F, v9;
	v9 =	vor.u32 s0, v0;
	v4 =	vld.idx.msk [tilespmem:v4+s20+$0x0], $0xffff  }
.LBB2_8:
0xc9: {  	p1 =	slt.u32 s31, $0x3FC0;
	v14 =	vld [tilespmem:s30+$0xFFFFFFF0];
	vm0 =	vlt.s32 v6, $0x827F;
	[tilespmem:v5+s23+$0x0] =	vst.idx.msk $0xffff, v1  }
0xca: {  	v15 =	vld [tilespmem:s30+$0x0];
	v16 =	vnsel vm0, $0x827F, v6  }
0xcb: {  	s0 =	sadd.s32 $0x30, s29;
	v1 =	vld.idx.msk [tilespmem:v12+s20+$0x0], $0xffff;
	[tilespmem:v7+s23+$0x0] =	vst.idx.msk $0xffff, v2  }
.Ltmp3:
0xcc: {  	v5 =	vor.u32 s0, v0;
	v6 =	vld [tilespmem:s30+$0xFFFFFFE0];
	[tilespmem:v11+s23+$0x0] =	vst.idx.msk $0xffff, v3;
	(pc) =	sbr.rel @p1 .LBB2_8-.Ltmp3, $4  }
0xcd: {  	s0 =	sadd.s32 $0x10, s29;
	vm0 =	vlt.s32 v13, $0x827F;
	v2 =	vld.idx.msk [tilespmem:v8+s20+$0x0], $0xffff;
	[tilespmem:v9+s23+$0x0] =	vst.idx.msk $0xffff, v4  }
0xce: {  	v7 =	vor.u32 s0, v0;
	s0 =	sadd.s32 $0x20, s29;
	vm1 =	vlt.s32 v14, $0x827F;
	v12 =	vnsel vm0, $0x827F, v13;
	v3 =	vld.idx.msk [tilespmem:v10+s20+$0x0], $0xffff  }
0xcf: {  	s30 =	sadd.s32 $0x40, s30;
	v11 =	vor.u32 s0, v0;
	v8 =	vnsel vm1, $0x827F, v14;
	vm0 =	vlt.s32 v15, $0x827F;
	v4 =	vld.idx.msk [tilespmem:v16+s20+$0x0], $0xffff  }
0xd0: {  	v9 =	vor.u32 s29, v0;
	s29 =	smov.u32 s28;
	s28 =	smov.u32 s31;
	s31 =	sadd.s32 $0x40, s31;
	v13 =	vld [tilespmem:s30+$0x10];
	v10 =	vnsel vm0, $0x827F, v15  }
0xd1: {  	v14 =	vld [tilespmem:s30+$0xFFFFFFF0]  }
0xd2: {  	v15 =	vld [tilespmem:s30+$0x0]  }
0xd3: {  	v16 =	vld [tilespmem:s30+$0xFFFFFFE0]  }
0xd4: {  	vm0 =	vlt.s32 v6, $0x827F  }
0xd5: {  	v6 =	vnsel vm0, $0x827F, v6;
	vm0 =	vlt.s32 v13, $0x827F  }
0xd6: {  	s0 =	sadd.s32 $0x30, s29;
	vm1 =	vlt.s32 v14, $0x827F;
	v13 =	vnsel vm0, $0x827F, v13  }
0xd7: {  	v12 =	vld.idx.msk [tilespmem:v12+s20+$0x0], $0xffff;
	s1 =	sadd.s32 $0x10, s29;
	v17 =	vor.u32 s0, v0;
	vm0 =	vlt.s32 v15, $0x827F;
	v14 =	vnsel vm1, $0x827F, v14  }
0xd8: {  	[tilespmem:v5+s23+$0x0] =	vst.idx.msk $0xffff, v1;
	v1 =	vld.idx.msk [tilespmem:v8+s20+$0x0], $0xffff;
	v5 =	vor.u32 s1, v0;
	s1 =	sadd.s32 $0x20, s29;
	v8 =	vnsel vm0, $0x827F, v15;
	vm0 =	vlt.s32 v16, $0x827F  }
0xd9: {  	[tilespmem:v7+s23+$0x0] =	vst.idx.msk $0xffff, v2;
	v2 =	vld.idx.msk [tilespmem:v10+s20+$0x0], $0xffff;
	v7 =	vor.u32 s1, v0;
	v10 =	vnsel vm0, $0x827F, v16  }
0xda: {  	[tilespmem:v11+s23+$0x0] =	vst.idx.msk $0xffff, v3;
	s1 =	sadd.s32 $0x30, s28;
	v3 =	vld.idx.msk [tilespmem:v6+s20+$0x0], $0xffff;
	v6 =	vor.u32 s29, v0  }
0xdb: {  	[tilespmem:v9+s23+$0x0] =	vst.idx.msk $0xffff, v4;
	v9 =	vor.u32 s1, v0;
	s1 =	sadd.s32 $0x10, s28;
	v4 =	vld.idx.msk [tilespmem:v13+s20+$0x0], $0xffff  }
0xdc: {  	[tilespmem:v17+s23+$0x0] =	vst.idx.msk $0xffff, v12;
	v12 =	vor.u32 s1, v0;
	s1 =	sadd.s32 $0x20, s28;
	v11 =	vld.idx.msk [tilespmem:v14+s20+$0x0], $0xffff  }
0xdd: {  	[tilespmem:v5+s23+$0x0] =	vst.idx.msk $0xffff, v1;
	v5 =	vor.u32 s1, v0;
	v1 =	vld.idx.msk [tilespmem:v8+s20+$0x0], $0xffff  }
0xde: {  	[tilespmem:v7+s23+$0x0] =	vst.idx.msk $0xffff, v2;
	v7 =	vor.u32 s28, v0;
	v2 =	vld.idx.msk [tilespmem:v10+s20+$0x0], $0xffff  }
0xdf: {  	[tilespmem:v6+s23+$0x0] =	vst.idx.msk $0xffff, v3  }
0xe0: {  	[tilespmem:v9+s23+$0x0] =	vst.idx.msk $0xffff, v4  }
0xe1: {  	[tilespmem:v12+s23+$0x0] =	vst.idx.msk $0xffff, v11  }
0xe2: {  	[tilespmem:v5+s23+$0x0] =	vst.idx.msk $0xffff, v1  }
0xe3: {  	[tilespmem:v7+s23+$0x0] =	vst.idx.msk $0xffff, v2  }
0xe4: {  	_ =	swait.ge [sflag:s19], $0x8280  }
0xe5: {  	[sflag:s19] =	ssyncset.done $0x0  }
0xe6: {  	[sflag:s19] =	ssyncadd.s32 $0xFFFF7D80  }
0xe7: {  	[tilespmem:s20], [sflag:$0x2] =	stream.strided.gather [hbm4b:s11+s15], $0x8180, s16, s15, $0x38;
	[tilespmem:$0x1C900] =	vst v63  }
0xe8: {  	s0 =	simm.s32 $0x0;
	s1 =	simm.s32 $0x10520  }
0xe9: {  	[tilespmem:s24], [sflag:$0x2] =	stream.linear.gather [hbm4b:s12+s0], $0x80, $0x38;
	[tilespmem:$0x1C900] =	vst v63  }
0xea: {  	v1 =	vld [tilespmem:s1+$0x10]  }
0xeb: {  	v2 =	vld [tilespmem:s1+$0xFFFFFFF0]  }
0xec: {  	v3 =	vld [tilespmem:s1+$0x0]  }
0xed: {  	v4 =	vld [tilespmem:s1+$0xFFFFFFE0];
	_ =	sdelay $0x1  }
0xee: {  	s1 =	simm.s32 $0x10560;
	v1 =	vadd.s32 $0xFFFF7D80, v1  }
0xef: {  	v5 =	vld [tilespmem:s1+$0x10];
	v2 =	vadd.s32 $0xFFFF7D80, v2;
	vm0 =	vlt.u32 v1, $0x8280  }
0xf0: {  	v3 =	vadd.s32 $0xFFFF7D80, v3;
	vm1 =	vlt.u32 v2, $0x8280  }
0xf1: {  	v6 =	vadd.s32 $0xFFFF7D80, v4;
	v4 =	vld [tilespmem:s1+$0xFFFFFFF0];
	vm4 =	vlt.u32 v3, $0x8280  }
0xf2: {  	v8 =	vld [tilespmem:s1+$0x0];
	vm6 =	vlt.u32 v6, $0x8280  }
0xf3: {  	s30 =	simm.s32 $0x105A0;
	s28 =	simm.s32 $0x10;
	v12 =	vld [tilespmem:s1+$0xFFFFFFE0]  }
0xf4: {  	v10 =	vor.u32 s28, v0;
	v13 =	vld [tilespmem:s30+$0x10];
	s1 =	simm.s32 $0x30;
	v5 =	vadd.s32 $0xFFFF7D80, v5;
	vm3 =	vmmov vm0  }
0xf5: {  	v9 =	vor.u32 s1, v0;
	s1 =	simm.s32 $0x20;
	vm2 =	vmmov vm1;
	vm5 =	vlt.u32 v5, $0x8280;
	v1 =	vld.idx.msk [tilespmem:v1+s3+$0x0], vm0  }
0xf6: {  	v11 =	vor.u32 s1, v0;
	v4 =	vadd.s32 $0xFFFF7D80, v4;
	vm0 =	vmmov vm4;
	v2 =	vld.idx.msk [tilespmem:v2+s3+$0x0], vm1  }
0xf7: {  	vm1 =	vmmov vm6;
	v7 =	vld.idx.msk [tilespmem:v3+s3+$0x0], vm4;
	vm4 =	vlt.u32 v4, $0x8280;
	v3 =	vadd.s32 $0xFFFF7D80, v8  }
0xf8: {  	s31 =	simm.s32 $0xC0;
	s29 =	simm.s32 $0x40;
	s28 =	simm.s32 $0x80;
	v6 =	vld.idx.msk [tilespmem:v6+s3+$0x0], vm6;
	v8 =	vadd.s32 $0xFFFF7D80, v12;
	v12 =	vor.u32 s0, v0;
	vm6 =	vlt.u32 v3, $0x8280  }
.LBB2_10:
0xf9: {  	p1 =	slt.u32 s31, $0x3FC0;
	v14 =	vld [tilespmem:s30+$0xFFFFFFF0];
	vm7 =	vlt.u32 v8, $0x8280  }
0xfa: {  	v15 =	vld [tilespmem:s30+$0x0];
	[tilespmem:v9+s23+$0x0] =	vst.idx.msk vm3, v1;
	vm3 =	vmmov vm5  }
0xfb: {  	v16 =	vld [tilespmem:s30+$0xFFFFFFE0];
	[tilespmem:v10+s23+$0x0] =	vst.idx.msk vm2, v2;
	vm2 =	vmmov vm4  }
.Ltmp4:
0xfc: {  	s0 =	sadd.s32 $0x30, s29;
	v1 =	vld.idx.msk [tilespmem:v5+s3+$0x0], vm5;
	[tilespmem:v11+s23+$0x0] =	vst.idx.msk vm0, v7;
	vm0 =	vmmov vm6;
	(pc) =	sbr.rel @p1 .LBB2_10-.Ltmp4, $4  }
0xfd: {  	s1 =	sadd.s32 $0x10, s29;
	v9 =	vor.u32 s0, v0;
	v5 =	vadd.s32 $0xFFFF7D80, v13;
	v2 =	vld.idx.msk [tilespmem:v4+s3+$0x0], vm4;
	[tilespmem:v12+s23+$0x0] =	vst.idx.msk vm1, v6;
	vm1 =	vmmov vm7  }
0xfe: {  	s0 =	sadd.s32 $0x20, s29;
	v10 =	vor.u32 s1, v0;
	v4 =	vadd.s32 $0xFFFF7D80, v14;
	vm5 =	vlt.u32 v5, $0x8280;
	v7 =	vld.idx.msk [tilespmem:v3+s3+$0x0], vm6  }
0xff: {  	s30 =	sadd.s32 $0x40, s30;
	v11 =	vor.u32 s0, v0;
	vm4 =	vlt.u32 v4, $0x8280;
	v3 =	vadd.s32 $0xFFFF7D80, v15;
	v6 =	vld.idx.msk [tilespmem:v8+s3+$0x0], vm7  }
0x100: {  	v12 =	vor.u32 s29, v0;
	s29 =	smov.u32 s28;
	s28 =	smov.u32 s31;
	s31 =	sadd.s32 $0x40, s31;
	v13 =	vld [tilespmem:s30+$0x10];
	v8 =	vadd.s32 $0xFFFF7D80, v16;
	vm6 =	vlt.u32 v3, $0x8280  }
0x101: {  	v14 =	vld [tilespmem:s30+$0xFFFFFFF0]  }
0x102: {  	v15 =	vld [tilespmem:s30+$0x0]  }
0x103: {  	v16 =	vld [tilespmem:s30+$0xFFFFFFE0];
	_ =	sdelay $0x1  }
0x104: {  	vm8 =	vlt.u32 v8, $0x8280;
	v13 =	vadd.s32 $0xFFFF7D80, v13  }
0x105: {  	vm9 =	vmmov vm5;
	v14 =	vadd.s32 $0xFFFF7D80, v14;
	vm10 =	vlt.u32 v13, $0x8280  }
0x106: {  	vm7 =	vmmov vm4;
	s0 =	sadd.s32 $0x30, s29;
	v15 =	vadd.s32 $0xFFFF7D80, v15;
	vm11 =	vlt.u32 v14, $0x8280  }
0x107: {  	v5 =	vld.idx.msk [tilespmem:v5+s3+$0x0], vm5;
	s1 =	sadd.s32 $0x10, s29;
	v17 =	vor.u32 s0, v0;
	v16 =	vadd.s32 $0xFFFF7D80, v16;
	vm5 =	vlt.u32 v15, $0x8280  }
0x108: {  	[tilespmem:v9+s23+$0x0] =	vst.idx.msk vm3, v1;
	vm3 =	vmmov vm6;
	v1 =	vld.idx.msk [tilespmem:v4+s3+$0x0], vm4;
	v4 =	vor.u32 s1, v0;
	s1 =	sadd.s32 $0x20, s29;
	vm4 =	vlt.u32 v16, $0x8280  }
0x109: {  	[tilespmem:v10+s23+$0x0] =	vst.idx.msk vm2, v2;
	v2 =	vld.idx.msk [tilespmem:v3+s3+$0x0], vm6;
	v3 =	vor.u32 s1, v0  }
0x10a: {  	s0 =	sadd.s32 $0x30, s28;
	[tilespmem:v11+s23+$0x0] =	vst.idx.msk vm0, v7;
	v7 =	vld.idx.msk [tilespmem:v8+s3+$0x0], vm8;
	v8 =	vor.u32 s29, v0  }
0x10b: {  	s1 =	sadd.s32 $0x10, s28;
	v9 =	vor.u32 s0, v0;
	[tilespmem:v12+s23+$0x0] =	vst.idx.msk vm1, v6;
	v6 =	vld.idx.msk [tilespmem:v13+s3+$0x0], vm10  }
0x10c: {  	v10 =	vor.u32 s1, v0;
	s1 =	sadd.s32 $0x20, s28;
	[tilespmem:v17+s23+$0x0] =	vst.idx.msk vm9, v5;
	v5 =	vld.idx.msk [tilespmem:v14+s3+$0x0], vm11  }
0x10d: {  	[tilespmem:v4+s23+$0x0] =	vst.idx.msk vm7, v1;
	v4 =	vor.u32 s1, v0;
	v1 =	vld.idx.msk [tilespmem:v15+s3+$0x0], vm5  }
0x10e: {  	[tilespmem:v3+s23+$0x0] =	vst.idx.msk vm3, v2;
	v3 =	vor.u32 s28, v0;
	v2 =	vld.idx.msk [tilespmem:v16+s3+$0x0], vm4  }
0x10f: {  	[tilespmem:v8+s23+$0x0] =	vst.idx.msk vm8, v7  }
0x110: {  	[tilespmem:v9+s23+$0x0] =	vst.idx.msk vm10, v6  }
0x111: {  	[tilespmem:v10+s23+$0x0] =	vst.idx.msk vm11, v5  }
0x112: {  	[tilespmem:v4+s23+$0x0] =	vst.idx.msk vm5, v1  }
0x113: {  	[tilespmem:v3+s23+$0x0] =	vst.idx.msk vm4, v2  }
0x114: {  	_ =	swait.ge [sflag:s19], $0x8180  }
0x115: {  	[sflag:s19] =	ssyncset.done $0x0  }
0x116: {  	[sflag:s19] =	ssyncadd.s32 $0xFFFF7E80  }
0x117: {  	_ =	swait.ge [sflag:s19], $0x80  }
0x118: {  	[sflag:s19] =	ssyncset.done $0x0  }
0x119: {  	s1 =	simm.s32 $0x10520;
	[sflag:s19] =	ssyncadd.s32 $0xFFFFFF80  }
0x11a: {  	v1 =	vld [tilespmem:s1+$0x10]  }
0x11b: {  	v2 =	vld [tilespmem:s1+$0xFFFFFFF0]  }
0x11c: {  	v3 =	vld [tilespmem:s1+$0x0]  }
0x11d: {  	v4 =	vld [tilespmem:s1+$0xFFFFFFE0];
	_ =	sdelay $0x1  }
0x11e: {  	vm0 =	vmmov vm10;
	s1 =	simm.s32 $0x10560;
	v1 =	vadd.s32 $0xFFFEFB00, v1  }
0x11f: {  	vm1 =	vmmov vm11;
	v8 =	vld [tilespmem:s1+$0x0];
	v2 =	vadd.s32 $0xFFFEFB00, v2;
	vm0 =	vlt.u32 v1, $0x81A1  }
0x120: {  	vm6 =	vmmov vm5;
	v6 =	vadd.s32 $0xFFFEFB00, v3;
	v3 =	vld [tilespmem:s1+$0x10];
	vm1 =	vlt.u32 v2, $0x81A1  }
0x121: {  	vm7 =	vmmov vm4;
	v7 =	vadd.s32 $0xFFFEFB00, v4;
	v4 =	vld [tilespmem:s1+$0xFFFFFFF0];
	vm4 =	vlt.u32 v6, $0x81A1  }
0x122: {  	s0 =	simm.s32 $0x30;
	v12 =	vld [tilespmem:s1+$0xFFFFFFE0];
	vm6 =	vlt.u32 v7, $0x81A1  }
0x123: {  	s30 =	simm.s32 $0x105A0;
	v9 =	vor.u32 s0, v0;
	s0 =	simm.s32 $0x20  }
0x124: {  	vm2 =	vmmov vm8;
	v11 =	vor.u32 s0, v0;
	v13 =	vld [tilespmem:s30+$0x10];
	s1 =	simm.s32 $0x10;
	vm3 =	vmmov vm0  }
0x125: {  	v10 =	vor.u32 s1, v0;
	vm2 =	vmmov vm1;
	v5 =	vadd.s32 $0xFFFEFB00, v3;
	v1 =	vld.idx.msk [tilespmem:v1+s20+$0x0], vm0  }
0x126: {  	s1 =	simm.s32 $0x0;
	v3 =	vadd.s32 $0xFFFEFB00, v4;
	v4 =	vadd.s32 $0xFFFEFB00, v8;
	vm0 =	vmmov vm4;
	v2 =	vld.idx.msk [tilespmem:v2+s20+$0x0], vm1  }
0x127: {  	v8 =	vadd.s32 $0xFFFEFB00, v12;
	v12 =	vor.u32 s1, v0;
	vm1 =	vmmov vm6;
	v6 =	vld.idx.msk [tilespmem:v6+s20+$0x0], vm4  }
0x128: {  	s31 =	simm.s32 $0xC0;
	s29 =	simm.s32 $0x40;
	s28 =	simm.s32 $0x80;
	vm5 =	vlt.u32 v5, $0x81A1;
	vm4 =	vlt.u32 v3, $0x81A1;
	v7 =	vld.idx.msk [tilespmem:v7+s20+$0x0], vm6;
	vm6 =	vlt.u32 v4, $0x81A1  }
.LBB2_12:
0x129: {  	p1 =	slt.u32 s31, $0x3FC0;
	v14 =	vld [tilespmem:s30+$0xFFFFFFF0];
	vm7 =	vlt.u32 v8, $0x81A1  }
0x12a: {  	v15 =	vld [tilespmem:s30+$0x0];
	[tilespmem:v9+s23+$0x0] =	vst.idx.msk vm3, v1;
	vm3 =	vmmov vm5  }
0x12b: {  	v16 =	vld [tilespmem:s30+$0xFFFFFFE0];
	[tilespmem:v10+s23+$0x0] =	vst.idx.msk vm2, v2;
	vm2 =	vmmov vm4  }
.Ltmp5:
0x12c: {  	s0 =	sadd.s32 $0x30, s29;
	v1 =	vld.idx.msk [tilespmem:v5+s20+$0x0], vm5;
	[tilespmem:v11+s23+$0x0] =	vst.idx.msk vm0, v6;
	vm0 =	vmmov vm6;
	(pc) =	sbr.rel @p1 .LBB2_12-.Ltmp5, $4  }
0x12d: {  	s1 =	sadd.s32 $0x10, s29;
	v9 =	vor.u32 s0, v0;
	v5 =	vadd.s32 $0xFFFEFB00, v13;
	v2 =	vld.idx.msk [tilespmem:v3+s20+$0x0], vm4;
	[tilespmem:v12+s23+$0x0] =	vst.idx.msk vm1, v7;
	vm1 =	vmmov vm7  }
0x12e: {  	s0 =	sadd.s32 $0x20, s29;
	v10 =	vor.u32 s1, v0;
	v3 =	vadd.s32 $0xFFFEFB00, v14;
	vm5 =	vlt.u32 v5, $0x81A1;
	v6 =	vld.idx.msk [tilespmem:v4+s20+$0x0], vm6  }
0x12f: {  	s30 =	sadd.s32 $0x40, s30;
	v11 =	vor.u32 s0, v0;
	vm4 =	vlt.u32 v3, $0x81A1;
	v4 =	vadd.s32 $0xFFFEFB00, v15;
	v7 =	vld.idx.msk [tilespmem:v8+s20+$0x0], vm7  }
0x130: {  	v12 =	vor.u32 s29, v0;
	s29 =	smov.u32 s28;
	s28 =	smov.u32 s31;
	s31 =	sadd.s32 $0x40, s31;
	v13 =	vld [tilespmem:s30+$0x10];
	v8 =	vadd.s32 $0xFFFEFB00, v16;
	vm6 =	vlt.u32 v4, $0x81A1  }
0x131: {  	v14 =	vld [tilespmem:s30+$0xFFFFFFF0]  }
0x132: {  	v15 =	vld [tilespmem:s30+$0x0]  }
0x133: {  	v16 =	vld [tilespmem:s30+$0xFFFFFFE0];
	_ =	sdelay $0x1  }
0x134: {  	vm8 =	vlt.u32 v8, $0x81A1;
	v13 =	vadd.s32 $0xFFFEFB00, v13  }
0x135: {  	vm9 =	vmmov vm5;
	v14 =	vadd.s32 $0xFFFEFB00, v14;
	vm10 =	vlt.u32 v13, $0x81A1  }
0x136: {  	vm7 =	vmmov vm4;
	s0 =	sadd.s32 $0x30, s29;
	v15 =	vadd.s32 $0xFFFEFB00, v15;
	vm11 =	vlt.u32 v14, $0x81A1  }
0x137: {  	v5 =	vld.idx.msk [tilespmem:v5+s20+$0x0], vm5;
	s1 =	sadd.s32 $0x10, s29;
	v17 =	vor.u32 s0, v0;
	v16 =	vadd.s32 $0xFFFEFB00, v16;
	vm5 =	vlt.u32 v15, $0x81A1  }
0x138: {  	[tilespmem:v9+s23+$0x0] =	vst.idx.msk vm3, v1;
	vm3 =	vmmov vm6;
	v1 =	vld.idx.msk [tilespmem:v3+s20+$0x0], vm4;
	v3 =	vor.u32 s1, v0;
	s1 =	sadd.s32 $0x20, s29;
	vm4 =	vlt.u32 v16, $0x81A1  }
0x139: {  	[tilespmem:v10+s23+$0x0] =	vst.idx.msk vm2, v2;
	v2 =	vld.idx.msk [tilespmem:v4+s20+$0x0], vm6;
	v56 =	vor.u32 s1, v0  }
0x13a: {  	v58 =	vor.u32 s29, v0;
	s29 =	sadd.s32 $0x30, s28;
	[tilespmem:v11+s23+$0x0] =	vst.idx.msk vm0, v6;
	v57 =	vld.idx.msk [tilespmem:v8+s20+$0x0], vm8  }
0x13b: {  	s30 =	sadd.s32 $0x10, s28;
	v60 =	vor.u32 s29, v0;
	[tilespmem:v12+s23+$0x0] =	vst.idx.msk vm1, v7;
	v59 =	vld.idx.msk [tilespmem:v13+s20+$0x0], vm10  }
0x13c: {  	s31 =	sadd.s32 $0x20, s28;
	v62 =	vor.u32 s30, v0;
	[tilespmem:v17+s23+$0x0] =	vst.idx.msk vm9, v5;
	v61 =	vld.idx.msk [tilespmem:v14+s20+$0x0], vm11  }
0x13d: {  	[tilespmem:v3+s23+$0x0] =	vst.idx.msk vm7, v1;
	v3 =	vor.u32 s31, v0;
	v1 =	vld.idx.msk [tilespmem:v15+s20+$0x0], vm5  }
0x13e: {  	v63 =	vor.u32 s28, v0;
	[tilespmem:v56+s23+$0x0] =	vst.idx.msk vm3, v2;
	v2 =	vld.idx.msk [tilespmem:v16+s20+$0x0], vm4  }
0x13f: {  	[tilespmem:v58+s23+$0x0] =	vst.idx.msk vm8, v57  }
0x140: {  	[tilespmem:v60+s23+$0x0] =	vst.idx.msk vm10, v59  }
0x141: {  	[tilespmem:v62+s23+$0x0] =	vst.idx.msk vm11, v61  }
0x142: {  	[tilespmem:v3+s23+$0x0] =	vst.idx.msk vm5, v1  }
0x143: {  	s26 =	sadd.s32 $0x1, s26;
	[tilespmem:v63+s23+$0x0] =	vst.idx.msk vm4, v2  }
0x144: {  	[hbm4b:s13+s15] =	stream.strided.scatter [tilespmem:s23], [sflag:$0x3], $0x4000, s16, s15, $0x38;
	[tilespmem:$0x1C900] =	vst v63  }
0x145: {  	p1 =	sne.s32 s26, s14;
	_ =	swait.ge [sflag:s25], $0x4000  }
.Ltmp6:
0x146: {  	[sflag:s25] =	ssyncset.done $0x0;
	(pc) =	sbr.rel @p1 .LBB2_1-.Ltmp6, $4  }
0x147: {  	[sflag:s25] =	ssyncadd.s32 $0xFFFFC000  }
0x148: {  	_ =	swait.ge [sflag:s25], $0x4000  }
0x149: {  	vm6 =	vmmov vm8;
	vm12 =	vmmov vm10;
	[sflag:s25] =	ssyncset.done $0x0  }
0x14a: {  	vm13 =	vmmov vm11;
	vm14 =	vmmov vm5;
	vm15 =	vmmov vm4;
	[sflag:s25] =	ssyncadd.s32 $0xFFFFC000  }
0x14b: {  	_ =	sfence.sel $0x180000  }
0x14c: {  	[bflag:$0x0] =	sbarrier.arrive $0xFFFF  }
0x14d: {  	_ =	strace $0x90000047  }
0x14e: {  	[bflag:$0x2] =	sbarrier.arrive $0xFFFF  }
0x14f: {  	s0 =	rddreg [dreg:$0x5]  }
0x150: {  	s0 =	sadd.s32 @!p0 $0x100000, s0  }
0x151: {  	[sflag:s0] =	ssyncadd.tile.s32 @!p0 $0x1;
	_ =	shalt  }
.Lfunc_end2:
_tile_overlayer_lowered:
.L_overlay_start_2:
0x152: {  	(tag) =	ssettag $0x2  }
0x153: {  	s0 =	rddreg [dreg:$0x0];
	s2 =	stileid.u32  }
0x154: {  	s1 =	rddreg [dreg:$0x1];
	p0 =	sne.s32 s2, $0x0  }
0x155: {  	s3 =	rddreg [dreg:$0x2];
	[bflag:$0x3] =	sbarrier.arrive $0xFFFF;
	s2 =	simm.s32 @!p0 $0x1C04  }
0x156: {  	[timem:s3], [sflag:s2] =	dma.local @!p0 [hbm:s0], s1  }
0x157: {  	s0 =	simm.s32 @!p0 $0x4  }
0x158: {  	_ =	swait.ge @!p0 [sflag:s0], s1  }
0x159: {  	s1 =	ssub.s32 @!p0 $0x0, s1;
	[sflag:s0] =	ssyncset.done @!p0 $0x0  }
0x15a: {  	[sflag:s0] =	ssyncadd.s32 @!p0 s1  }
0x15b: {  	[bflag:$0x3] =	sbarrier.arrive $0xFFFF  }
0x15c: {  	_ =	shalt  }

</sc_bundles>
